<compile_context>
chip_gen: v7x
topology: tpu7x:2x2x1
jax: 0.10.2.dev20260603
libtpu: 0.0.44.dev20260713+nightly
codegen_flags: <defaults>
</compile_context>

<pallas_src>
import functools

import jax
import jax.numpy as jnp
from jax import lax
from jax.experimental import pallas as pl
from jax.experimental.pallas import tpu as pltpu
from jax.experimental.pallas import tpu_sc as plsc

_PATCH = 32
_HALF = 16
_NSIDE = 7
_N = _NSIDE ** 3
_K = 8
_TAU = 2.0 / 3.0
_NEG_INF = float("-inf")

_LANES = 16
_ROWS_PER_PATCH = (_PATCH * _PATCH * _PATCH) // _LANES


def _topk_kernel(k_ref, logp_ref, soft_ref, st_ref, idx_ref):
    B, N = logp_ref.shape
    kk = k_ref[0]
    noisy = logp_ref[:, :]
    lane = lax.broadcasted_iota(jnp.int32, (B, N), 1)
    r = lax.broadcasted_iota(jnp.int32, (B, _ROWS_PER_PATCH), 1)
    pattern = (r // 64) * 1024 + ((r % 64) // 2) * 8 + (r % 2)
    softs = []
    for i in range(_K):
        if i > 0:
            prev = softs[i - 1]
            m = jnp.max(prev, axis=1, keepdims=True)
            idx = jnp.min(jnp.where(prev == m, lane, N), axis=1, keepdims=True)
            masked = jnp.where(lane == idx, _NEG_INF, noisy)
            noisy = jnp.where(i < kk, masked, noisy)
        soft_i = jax.nn.softmax(noisy / _TAU, axis=1)
        soft_i = jnp.where(i < kk, soft_i, jnp.zeros_like(soft_i))
        softs.append(soft_i)
        soft_ref[2 * i:2 * i + 2, :] = soft_i
        m2 = jnp.max(soft_i, axis=1, keepdims=True)
        idx2 = jnp.min(jnp.where(soft_i == m2, lane, N), axis=1, keepdims=True)
        hard = jnp.where(lane == idx2, jnp.float32(1.0), jnp.float32(0.0))
        st_ref[2 * i:2 * i + 2, :] = (hard - soft_i) + soft_i
        d16 = idx2 // (_NSIDE * _NSIDE)
        h7 = (idx2 // _NSIDE) % _NSIDE
        w7 = idx2 % _NSIDE
        b_col = lax.broadcasted_iota(jnp.int32, (B, 1), 0)
        base = b_col * 131072 + d16 * 16384 + h7 * 128 + w7
        idx_ref[2 * i:2 * i + 2, :] = base + pattern


def _sc_gather(table_hbm, idx_hbm, out_hbm, idx_v, rows_v, sem):
    info = plsc.get_sparse_core_info()
    wid = lax.axis_index("s") * info.num_cores + lax.axis_index("c")
    nw = info.num_cores * info.num_subcores
    rows_per_w = (_K * 2 * _ROWS_PER_PATCH) // nw
    base = wid * rows_per_w
    pltpu.sync_copy(idx_hbm.at[pl.ds(base, rows_per_w)], idx_v)
    pltpu.async_copy(table_hbm.at[idx_v], rows_v, sem).wait()
    pltpu.sync_copy(rows_v, out_hbm.at[pl.ds(base, rows_per_w)])


def kernel(volume, objectness_logits, k):
    B, C, D, H, W = volume.shape
    log_p = objectness_logits.reshape(B, -1).astype(jnp.float32)
    k_arr = jnp.reshape(k, (1,)).astype(jnp.int32)

    soft16, st16, idx16 = pl.pallas_call(
        _topk_kernel,
        in_specs=[
            pl.BlockSpec(memory_space=pltpu.SMEM),
            pl.BlockSpec(memory_space=pltpu.VMEM),
        ],
        out_specs=[
            pl.BlockSpec(memory_space=pltpu.VMEM),
            pl.BlockSpec(memory_space=pltpu.VMEM),
            pl.BlockSpec(memory_space=pltpu.VMEM),
        ],
        out_shape=[
            jax.ShapeDtypeStruct((_K * B, _N), jnp.float32),
            jax.ShapeDtypeStruct((_K * B, _N), jnp.float32),
            jax.ShapeDtypeStruct((_K * B, _ROWS_PER_PATCH), jnp.int32),
        ],
    )(k_arr, log_p)

    npatch = _K * B
    n_rows = npatch * _ROWS_PER_PATCH
    table = volume.reshape(B * C * D * H * W // _LANES, _LANES)
    idx_flat = idx16.reshape(n_rows)

    info = plsc.get_sparse_core_info()
    nw = info.num_cores * info.num_subcores
    rows_per_w = n_rows // nw

    selected_rows = pl.kernel(
        _sc_gather,
        out_type=jax.ShapeDtypeStruct((n_rows, _LANES), jnp.float32),
        mesh=plsc.VectorSubcoreMesh(core_axis_name="c", subcore_axis_name="s"),
        scratch_types=[
            pltpu.VMEM((rows_per_w,), jnp.int32),
            pltpu.VMEM((rows_per_w, _LANES), jnp.float32),
            pltpu.SemaphoreType.DMA,
        ],
        compiler_params=pltpu.CompilerParams(use_tc_tiling_on_sc=False),
    )(table, idx_flat)

    selected = selected_rows.reshape(npatch, C, _PATCH, _PATCH, _PATCH)
    soft = soft16.reshape(_K, B, _N)
    st = st16.reshape(_K, B, _N)
    return (selected, st, soft)

# --- scband reference (transcript-rebuilt; emitter-appended) ---
"""Pipeline reference for scband-patch-sampler-17480516895327 (READ-ONLY COPY).

The authoritative reference and input builder live on the scoring server;
editing this copy changes nothing except your own understanding.
"""

import jax, jax.numpy as jnp
import numpy as np

PATCH_SIZE = (32, 32, 32)
OVERLAP = 0.5
TAU = 2.0 / 3.0
EPS_TEST = 1e-200  # underflows to 0.0 in float32, matching torch.tensor([1e-200]) default dtype
K_STATIC = 8


def _get_patch_slices(volume_shape, patch_size, overlap):
    d_steps = volume_shape[0] - patch_size[0] + 1
    h_steps = volume_shape[1] - patch_size[1] + 1
    w_steps = volume_shape[2] - patch_size[2] + 1
    d_step = max(1, int(patch_size[0] * (1 - overlap)))
    h_step = max(1, int(patch_size[1] * (1 - overlap)))
    w_step = max(1, int(patch_size[2] * (1 - overlap)))
    slices = []
    for d in range(0, max(1, d_steps), d_step):
        d = min(d, volume_shape[0] - patch_size[0])
        for h in range(0, max(1, h_steps), h_step):
            h = min(h, volume_shape[1] - patch_size[1])
            for w in range(0, max(1, w_steps), w_step):
                w = min(w, volume_shape[2] - patch_size[2])
                slices.append((d, h, w))
    return slices


def _gumbel_topk_test(log_p, k, tau, k_static):
    # Deterministic ('test') mode of GumbelTopK: no Gumbel noise.
    B, N = log_p.shape
    eps = jnp.asarray(EPS_TEST, dtype=log_p.dtype)

    def body(i, carry):
        noisy, soft_one_hots = carry
        prev = soft_one_hots[jnp.maximum(i - 1, 0)]
        idx = jnp.argmax(prev, axis=1)
        hard = jax.nn.one_hot(idx, N, dtype=log_p.dtype)
        mask_first = jnp.maximum(1.0 - jnp.zeros_like(log_p), eps)
        mask_rest = jnp.maximum(1.0 - hard, eps)
        mask = jnp.where(i == 0, mask_first, mask_rest)
        noisy = noisy + jnp.log(mask)
        onehot_approx = jax.nn.softmax(noisy / tau, axis=1)
        soft_one_hots = soft_one_hots.at[i].set(onehot_approx)
        return noisy, soft_one_hots

    noisy0 = log_p
    soft0 = jnp.zeros((k_static, B, N), dtype=log_p.dtype)
    _, soft_one_hots = jax.lax.fori_loop(0, k, body, (noisy0, soft0))
    idx = jnp.argmax(soft_one_hots, axis=2)
    hard = jax.nn.one_hot(idx, N, dtype=log_p.dtype)
    st_one_hots = jax.lax.stop_gradient(hard - soft_one_hots) + soft_one_hots
    return st_one_hots, soft_one_hots


def setup_inputs(seed: int = 0) -> dict:
    key = jax.random.key(seed)
    k1, k2 = jax.random.split(key)
    volume = jax.random.normal(k1, (2, 1, 128, 128, 128), dtype=jnp.float32)
    objectness_logits = jax.random.normal(k2, (2, 1, 7, 7, 7), dtype=jnp.float32)
    return {"volume": volume, "objectness_logits": objectness_logits, "k": 8}


def reference(volume, objectness_logits, k):
    B, C, D, H, W = volume.shape
    pd, ph, pw = PATCH_SIZE
    slices = _get_patch_slices((D, H, W), PATCH_SIZE, OVERLAP)
    # extract_patches: [B, N, C, pd, ph, pw]
    patches = jnp.stack(
        [volume[:, :, d:d + pd, h:h + ph, w:w + pw] for (d, h, w) in slices], axis=1
    )
    N = patches.shape[1]
    log_p = objectness_logits.reshape(B, -1)
    assert log_p.shape[1] == N
    st_one_hots, soft_hots = _gumbel_topk_test(log_p, k, TAU, K_STATIC)  # [K, B, N]
    # Gather selected patches via straight-through one-hots
    selected = jnp.einsum('kbn,bncijl->kbcijl', st_one_hots, patches)
    selected = selected.reshape(st_one_hots.shape[0] * B, C, pd, ph, pw)
    return (selected, st_one_hots, soft_hots)

if __name__ == "__main__":
    import jax
    _d = setup_inputs()
    print(jax.jit(kernel)(*tuple(_d.values())))

</pallas_src>

<mosaic_0001>
#map = affine_map<(d0, d1) -> (0, 0)>
#map1 = affine_map<(d0, d1) -> (0)>
module attributes {stable_mosaic.version = 14 : i64} {
  func.func @_sc_gather(%arg0: i32, %arg1: i32, %arg2: memref<262144x16xf32, #tpu.memory_space<hbm>>, %arg3: memref<32768xi32, #tpu.memory_space<hbm>>, %arg4: memref<32768x16xf32, #tpu.memory_space<hbm>>, %arg5: memref<1024xi32, #tpu.memory_space<vmem>>, %arg6: memref<1024x16xf32, #tpu.memory_space<vmem>>, %arg7: memref<!tpu.dma_semaphore, #tpu.memory_space<semaphore_mem>>) attributes {dimension_semantics = [#tpu.dimension_semantics<core_parallel>, #tpu.dimension_semantics<subcore_parallel>], iteration_bounds = array<i64: 2, 16>, scalar_prefetch = 0 : i64, scratch_operands = 3 : i64, tpu.core_type = #tpu.core_type<sc_vector_subcore>, window_params = [{transform_indices = #map}, {transform_indices = #map1}, {transform_indices = #map}]} {
    %mul3A = arith.constant 2 : i32
    %mul3A_0 = arith.muli %arg1, %mul3A : i32
    %add3A = arith.addi %mul3A_0, %arg0 : i32
    %mul3A_1 = arith.constant 1024 : i32
    %mul3A_2 = arith.muli %add3A, %mul3A_1 : i32
    "tpu.region"() ({
      %run_scoped3A = tpu.sem_alloc : memref<!tpu.dma_semaphore, #tpu.memory_space<semaphore_mem>>
      %dma_start3A_7 = tpu.memref_slice %arg3[%mul3A_2] : memref<32768xi32, #tpu.memory_space<hbm>> -> memref<1024xi32, #tpu.memory_space<hbm>>
      %dma_start3A_8 = tpu.memref_slice %arg3[%mul3A_2] : memref<32768xi32, #tpu.memory_space<hbm>> -> memref<1024xi32, #tpu.memory_space<hbm>>
      tpu.enqueue_dma source(%dma_start3A_8 : memref<1024xi32, #tpu.memory_space<hbm>>) target(%arg5 : memref<1024xi32, #tpu.memory_space<vmem>>) target_semaphore(%run_scoped3A : memref<!tpu.dma_semaphore, #tpu.memory_space<semaphore_mem>>)
      %dma_wait3A_9 = tpu.memref_slice %arg3[%mul3A_2] : memref<32768xi32, #tpu.memory_space<hbm>> -> memref<1024xi32, #tpu.memory_space<hbm>>
      %dma_wait3A_10 = tpu.memref_slice %arg3[%mul3A_2] : memref<32768xi32, #tpu.memory_space<hbm>> -> memref<1024xi32, #tpu.memory_space<hbm>>
      tpu.wait_dma2 semaphore(%run_scoped3A : memref<!tpu.dma_semaphore, #tpu.memory_space<semaphore_mem>>) src(%dma_wait3A_10 : memref<1024xi32, #tpu.memory_space<hbm>>) dst(%arg5 : memref<1024xi32, #tpu.memory_space<vmem>>)
      tpu.yield
    }) : () -> ()
    %dma_start3A = arith.constant 0 : i32
    %dma_start3A_3 = arith.constant 0 : i32
    %dma_start3A_4 = tpu.memref_slice %arg2[%dma_start3A, %dma_start3A_3] : memref<262144x16xf32, #tpu.memory_space<hbm>> -> memref<262144x16xf32, #tpu.memory_space<hbm>>
    tpu.enqueue_indirect_dma source(%dma_start3A_4 : memref<262144x16xf32, #tpu.memory_space<hbm>>) target(%arg6 : memref<1024x16xf32, #tpu.memory_space<vmem>>) offsets(%arg5 : memref<1024xi32, #tpu.memory_space<vmem>>) semaphore(%arg7 : memref<!tpu.dma_semaphore, #tpu.memory_space<semaphore_mem>>)
    %dma_wait3A = arith.constant 0 : i32
    %dma_wait3A_5 = arith.constant 0 : i32
    %dma_wait3A_6 = tpu.memref_slice %arg2[%dma_wait3A, %dma_wait3A_5] : memref<262144x16xf32, #tpu.memory_space<hbm>> -> memref<262144x16xf32, #tpu.memory_space<hbm>>
    tpu.wait_indirect_dma semaphore(%arg7 : memref<!tpu.dma_semaphore, #tpu.memory_space<semaphore_mem>>) src(%dma_wait3A_6 : memref<262144x16xf32, #tpu.memory_space<hbm>>) dst(%arg6 : memref<1024x16xf32, #tpu.memory_space<vmem>>)
    "tpu.region"() ({
      %run_scoped3A = tpu.sem_alloc : memref<!tpu.dma_semaphore, #tpu.memory_space<semaphore_mem>>
      %dma_start3A_7 = arith.constant 0 : i32
      %dma_start3A_8 = tpu.memref_slice %arg4[%mul3A_2, %dma_start3A_7] : memref<32768x16xf32, #tpu.memory_space<hbm>> -> memref<1024x16xf32, #tpu.memory_space<hbm>>
      %dma_start3A_9 = arith.constant 0 : i32
      %dma_start3A_10 = tpu.memref_slice %arg4[%mul3A_2, %dma_start3A_9] : memref<32768x16xf32, #tpu.memory_space<hbm>> -> memref<1024x16xf32, #tpu.memory_space<hbm>>
      tpu.enqueue_dma source(%arg6 : memref<1024x16xf32, #tpu.memory_space<vmem>>) target(%dma_start3A_10 : memref<1024x16xf32, #tpu.memory_space<hbm>>) target_semaphore(%run_scoped3A : memref<!tpu.dma_semaphore, #tpu.memory_space<semaphore_mem>>)
      %dma_wait3A_11 = arith.constant 0 : i32
      %dma_wait3A_12 = tpu.memref_slice %arg4[%mul3A_2, %dma_wait3A_11] : memref<32768x16xf32, #tpu.memory_space<hbm>> -> memref<1024x16xf32, #tpu.memory_space<hbm>>
      %dma_wait3A_13 = arith.constant 0 : i32
      %dma_wait3A_14 = tpu.memref_slice %arg4[%mul3A_2, %dma_wait3A_13] : memref<32768x16xf32, #tpu.memory_space<hbm>> -> memref<1024x16xf32, #tpu.memory_space<hbm>>
      tpu.wait_dma2 semaphore(%run_scoped3A : memref<!tpu.dma_semaphore, #tpu.memory_space<semaphore_mem>>) src(%arg6 : memref<1024x16xf32, #tpu.memory_space<vmem>>) dst(%dma_wait3A_14 : memref<1024x16xf32, #tpu.memory_space<hbm>>)
      tpu.yield
    }) : () -> ()
    return
  }
}

module attributes {stable_mosaic.version = 14 : i64} {
  func.func @_topk_kernel(%arg0: memref<1xi32, #tpu.memory_space<smem>>, %arg1: memref<2x343xf32, #tpu.memory_space<vmem>>, %arg2: memref<16x343xf32, #tpu.memory_space<vmem>>, %arg3: memref<16x343xf32, #tpu.memory_space<vmem>>, %arg4: memref<16x2048xi32, #tpu.memory_space<vmem>>) attributes {dimension_semantics = [], scalar_prefetch = 0 : i64, scratch_operands = 0 : i64, tpu.core_type = #tpu.core_type<tc>} {
    %get3A = arith.constant 0 : index
    %get3A_0 = memref.load %arg0[%get3A] : memref<1xi32, #tpu.memory_space<smem>>
    %get3A_1 = arith.constant 0 : index
    %get3A_2 = arith.constant 0 : index
    %get3A_3 = vector.load %arg1[%get3A_1, %get3A_2] : memref<2x343xf32, #tpu.memory_space<vmem>>, vector<2x343xf32>
    %iota3A = tpu.iota {dimensions = array<i32: 1>} : vector<2x343xi32>
    %iota3A_4 = tpu.iota {dimensions = array<i32: 1>} : vector<2x2048xi32>
    %jit3A = arith.constant 64 : i32
    %div3A = vector.broadcast %jit3A : i32 to vector<2x2048xi32>
    %div3A_5 = arith.divsi %iota3A_4, %div3A : vector<2x2048xi32>
    %sign3A = arith.constant 0 : i32
    %sign3A_6 = vector.broadcast %sign3A : i32 to vector<2x2048xi32>
    %sign3A_7 = arith.cmpi sgt, %iota3A_4, %sign3A_6 : vector<2x2048xi32>
    %sign3A_8 = arith.extui %sign3A_7 : vector<2x2048xi1> to vector<2x2048xi32>
    %sign3A_9 = arith.constant 0 : i32
    %sign3A_10 = vector.broadcast %sign3A_9 : i32 to vector<2x2048xi32>
    %sign3A_11 = arith.cmpi slt, %iota3A_4, %sign3A_10 : vector<2x2048xi32>
    %sign3A_12 = arith.extui %sign3A_11 : vector<2x2048xi1> to vector<2x2048xi32>
    %sign3A_13 = arith.subi %sign3A_8, %sign3A_12 : vector<2x2048xi32>
    %sign3A_14 = arith.constant 0 : i32
    %sign3A_15 = arith.cmpi sgt, %jit3A, %sign3A_14 : i32
    %sign3A_16 = arith.extui %sign3A_15 : i1 to i32
    %sign3A_17 = arith.constant 0 : i32
    %sign3A_18 = arith.cmpi slt, %jit3A, %sign3A_17 : i32
    %sign3A_19 = arith.extui %sign3A_18 : i1 to i32
    %sign3A_20 = arith.subi %sign3A_16, %sign3A_19 : i32
    %ne3A = vector.broadcast %sign3A_20 : i32 to vector<2x2048xi32>
    %ne3A_21 = arith.cmpi ne, %sign3A_13, %ne3A : vector<2x2048xi32>
    %rem3A = vector.broadcast %jit3A : i32 to vector<2x2048xi32>
    %rem3A_22 = arith.remsi %iota3A_4, %rem3A : vector<2x2048xi32>
    %ne3A_23 = arith.constant 0 : i32
    %ne3A_24 = vector.broadcast %ne3A_23 : i32 to vector<2x2048xi32>
    %ne3A_25 = arith.cmpi ne, %rem3A_22, %ne3A_24 : vector<2x2048xi32>
    %and3A = arith.andi %ne3A_21, %ne3A_25 : vector<2x2048xi1>
    %sub3A = arith.constant 1 : i32
    %sub3A_26 = vector.broadcast %sub3A : i32 to vector<2x2048xi32>
    %sub3A_27 = arith.subi %div3A_5, %sub3A_26 : vector<2x2048xi32>
    %select_n3A = arith.select %and3A, %sub3A_27, %div3A_5 : vector<2x2048xi1>, vector<2x2048xi32>
    %mul3A = arith.constant 1024 : i32
    %mul3A_28 = vector.broadcast %mul3A : i32 to vector<2x2048xi32>
    %mul3A_29 = arith.muli %select_n3A, %mul3A_28 : vector<2x2048xi32>
    %jit3A_30 = arith.constant 64 : i32
    %eq3A = arith.constant 0 : i32
    %eq3A_31 = arith.cmpi eq, %jit3A_30, %eq3A : i32
    %jit3A_32 = arith.constant 1 : i32
    %select_n3A_33 = arith.select %eq3A_31, %jit3A_32, %jit3A_30 : i32
    %rem3A_34 = vector.broadcast %select_n3A_33 : i32 to vector<2x2048xi32>
    %rem3A_35 = arith.remsi %iota3A_4, %rem3A_34 : vector<2x2048xi32>
    %ne3A_36 = arith.constant 0 : i32
    %ne3A_37 = vector.broadcast %ne3A_36 : i32 to vector<2x2048xi32>
    %ne3A_38 = arith.cmpi ne, %rem3A_35, %ne3A_37 : vector<2x2048xi32>
    %lt3A = arith.constant 0 : i32
    %lt3A_39 = vector.broadcast %lt3A : i32 to vector<2x2048xi32>
    %lt3A_40 = arith.cmpi slt, %rem3A_35, %lt3A_39 : vector<2x2048xi32>
    %lt3A_41 = arith.constant 0 : i32
    %lt3A_42 = arith.cmpi slt, %select_n3A_33, %lt3A_41 : i32
    %ne3A_43 = vector.broadcast %lt3A_42 : i1 to vector<2x2048xi1>
    %ne3A_44 = vector.broadcast %ne3A_43 : vector<2x2048xi1> to vector<2x2048xi1>
    %ne3A_45 = arith.xori %lt3A_40, %ne3A_44 : vector<2x2048xi1>
    %and3A_46 = arith.andi %ne3A_45, %ne3A_38 : vector<2x2048xi1>
    %add3A = vector.broadcast %select_n3A_33 : i32 to vector<2x2048xi32>
    %add3A_47 = arith.addi %rem3A_35, %add3A : vector<2x2048xi32>
    %select_n3A_48 = arith.select %and3A_46, %add3A_47, %rem3A_35 : vector<2x2048xi1>, vector<2x2048xi32>
    %jit3A_49 = arith.constant 2 : i32
    %div3A_50 = vector.broadcast %jit3A_49 : i32 to vector<2x2048xi32>
    %div3A_51 = arith.divsi %select_n3A_48, %div3A_50 : vector<2x2048xi32>
    %sign3A_52 = arith.constant 0 : i32
    %sign3A_53 = vector.broadcast %sign3A_52 : i32 to vector<2x2048xi32>
    %sign3A_54 = arith.cmpi sgt, %select_n3A_48, %sign3A_53 : vector<2x2048xi32>
    %sign3A_55 = arith.extui %sign3A_54 : vector<2x2048xi1> to vector<2x2048xi32>
    %sign3A_56 = arith.constant 0 : i32
    %sign3A_57 = vector.broadcast %sign3A_56 : i32 to vector<2x2048xi32>
    %sign3A_58 = arith.cmpi slt, %select_n3A_48, %sign3A_57 : vector<2x2048xi32>
    %sign3A_59 = arith.extui %sign3A_58 : vector<2x2048xi1> to vector<2x2048xi32>
    %sign3A_60 = arith.subi %sign3A_55, %sign3A_59 : vector<2x2048xi32>
    %sign3A_61 = arith.constant 0 : i32
    %sign3A_62 = arith.cmpi sgt, %jit3A_49, %sign3A_61 : i32
    %sign3A_63 = arith.extui %sign3A_62 : i1 to i32
    %sign3A_64 = arith.constant 0 : i32
    %sign3A_65 = arith.cmpi slt, %jit3A_49, %sign3A_64 : i32
    %sign3A_66 = arith.extui %sign3A_65 : i1 to i32
    %sign3A_67 = arith.subi %sign3A_63, %sign3A_66 : i32
    %ne3A_68 = vector.broadcast %sign3A_67 : i32 to vector<2x2048xi32>
    %ne3A_69 = arith.cmpi ne, %sign3A_60, %ne3A_68 : vector<2x2048xi32>
    %rem3A_70 = vector.broadcast %jit3A_49 : i32 to vector<2x2048xi32>
    %rem3A_71 = arith.remsi %select_n3A_48, %rem3A_70 : vector<2x2048xi32>
    %ne3A_72 = arith.constant 0 : i32
    %ne3A_73 = vector.broadcast %ne3A_72 : i32 to vector<2x2048xi32>
    %ne3A_74 = arith.cmpi ne, %rem3A_71, %ne3A_73 : vector<2x2048xi32>
    %and3A_75 = arith.andi %ne3A_69, %ne3A_74 : vector<2x2048xi1>
    %sub3A_76 = arith.constant 1 : i32
    %sub3A_77 = vector.broadcast %sub3A_76 : i32 to vector<2x2048xi32>
    %sub3A_78 = arith.subi %div3A_51, %sub3A_77 : vector<2x2048xi32>
    %select_n3A_79 = arith.select %and3A_75, %sub3A_78, %div3A_51 : vector<2x2048xi1>, vector<2x2048xi32>
    %mul3A_80 = arith.constant 8 : i32
    %mul3A_81 = vector.broadcast %mul3A_80 : i32 to vector<2x2048xi32>
    %mul3A_82 = arith.muli %select_n3A_79, %mul3A_81 : vector<2x2048xi32>
    %add3A_83 = arith.addi %mul3A_29, %mul3A_82 : vector<2x2048xi32>
    %jit3A_84 = arith.constant 2 : i32
    %eq3A_85 = arith.constant 0 : i32
    %eq3A_86 = arith.cmpi eq, %jit3A_84, %eq3A_85 : i32
    %jit3A_87 = arith.constant 1 : i32
    %select_n3A_88 = arith.select %eq3A_86, %jit3A_87, %jit3A_84 : i32
    %rem3A_89 = vector.broadcast %select_n3A_88 : i32 to vector<2x2048xi32>
    %rem3A_90 = arith.remsi %iota3A_4, %rem3A_89 : vector<2x2048xi32>
    %ne3A_91 = arith.constant 0 : i32
    %ne3A_92 = vector.broadcast %ne3A_91 : i32 to vector<2x2048xi32>
    %ne3A_93 = arith.cmpi ne, %rem3A_90, %ne3A_92 : vector<2x2048xi32>
    %lt3A_94 = arith.constant 0 : i32
    %lt3A_95 = vector.broadcast %lt3A_94 : i32 to vector<2x2048xi32>
    %lt3A_96 = arith.cmpi slt, %rem3A_90, %lt3A_95 : vector<2x2048xi32>
    %lt3A_97 = arith.constant 0 : i32
    %lt3A_98 = arith.cmpi slt, %select_n3A_88, %lt3A_97 : i32
    %ne3A_99 = vector.broadcast %lt3A_98 : i1 to vector<2x2048xi1>
    %ne3A_100 = vector.broadcast %ne3A_99 : vector<2x2048xi1> to vector<2x2048xi1>
    %ne3A_101 = arith.xori %lt3A_96, %ne3A_100 : vector<2x2048xi1>
    %and3A_102 = arith.andi %ne3A_101, %ne3A_93 : vector<2x2048xi1>
    %add3A_103 = vector.broadcast %select_n3A_88 : i32 to vector<2x2048xi32>
    %add3A_104 = arith.addi %rem3A_90, %add3A_103 : vector<2x2048xi32>
    %select_n3A_105 = arith.select %and3A_102, %add3A_104, %rem3A_90 : vector<2x2048xi1>, vector<2x2048xi32>
    %add3A_106 = arith.addi %add3A_83, %select_n3A_105 : vector<2x2048xi32>
    %div3A_107 = arith.constant 0.666666686 : f32
    %div3A_108 = vector.broadcast %div3A_107 : f32 to vector<2x343xf32>
    %div3A_109 = arith.divf %get3A_3, %div3A_108 : vector<2x343xf32>
    %reduce_max3A = arith.constant dense<0xFF800000> : vector<2xf32>
    %reduce_max3A_110 = vector.multi_reduction <maximumf>, %div3A_109, %reduce_max3A [1] : vector<2x343xf32> to vector<2xf32>
    %max3A = arith.constant 0xFF800000 : f32
    %max3A_111 = vector.broadcast %max3A : f32 to vector<2xf32>
    %max3A_112 = arith.maximumf %max3A_111, %reduce_max3A_110 : vector<2xf32>
    %broadcast_in_dim3A = vector.shape_cast %max3A_112 : vector<2xf32> to vector<2x1xf32>
    %sub3A_113 = vector.broadcast %broadcast_in_dim3A : vector<2x1xf32> to vector<2x343xf32>
    %sub3A_114 = arith.subf %div3A_109, %sub3A_113 : vector<2x343xf32>
    %exp3A = math.exp %sub3A_114 : vector<2x343xf32>
    %reduce_sum3A = arith.constant dense<0.000000e+00> : vector<2xf32>
    %reduce_sum3A_115 = vector.multi_reduction <add>, %exp3A, %reduce_sum3A [1] : vector<2x343xf32> to vector<2xf32>
    %broadcast_in_dim3A_116 = vector.shape_cast %reduce_sum3A_115 : vector<2xf32> to vector<2x1xf32>
    %div3A_117 = vector.broadcast %broadcast_in_dim3A_116 : vector<2x1xf32> to vector<2x343xf32>
    %div3A_118 = arith.divf %exp3A, %div3A_117 : vector<2x343xf32>
    %gt3A = arith.constant 0 : i32
    %gt3A_119 = arith.cmpi sgt, %get3A_0, %gt3A : i32
    %broadcast_in_dim3A_120 = arith.constant 0.000000e+00 : f32
    %broadcast_in_dim3A_121 = vector.broadcast %broadcast_in_dim3A_120 : f32 to vector<2x343xf32>
    %select_n3A_122 = arith.select %gt3A_119, %div3A_118, %broadcast_in_dim3A_121 : vector<2x343xf32>
    %swap3A = arith.constant 0 : index
    %swap3A_123 = arith.constant 0 : index
    %swap3A_124 = vector.load %arg2[%swap3A, %swap3A_123] : memref<16x343xf32, #tpu.memory_space<vmem>>, vector<2x343xf32>
    tpu.vector_store %arg2[%swap3A, %swap3A_123], %select_n3A_122 {strides = array<i32>} : memref<16x343xf32, #tpu.memory_space<vmem>>, vector<2x343xf32>,
    %reduce_max3A_125 = arith.constant dense<0xFF800000> : vector<2xf32>
    %reduce_max3A_126 = vector.multi_reduction <maximumf>, %select_n3A_122, %reduce_max3A_125 [1] : vector<2x343xf32> to vector<2xf32>
    %broadcast_in_dim3A_127 = vector.shape_cast %reduce_max3A_126 : vector<2xf32> to vector<2x1xf32>
    %eq3A_128 = vector.broadcast %broadcast_in_dim3A_127 : vector<2x1xf32> to vector<2x343xf32>
    %eq3A_129 = arith.cmpf oeq, %select_n3A_122, %eq3A_128 : vector<2x343xf32>
    %jit3A_130 = arith.constant 343 : i32
    %broadcast_in_dim3A_131 = vector.broadcast %jit3A_130 : i32 to vector<2x343xi32>
    %select_n3A_132 = arith.select %eq3A_129, %iota3A, %broadcast_in_dim3A_131 : vector<2x343xi1>, vector<2x343xi32>
    %reduce_min3A = arith.constant dense<2147483647> : vector<2xi32>
    %reduce_min3A_133 = vector.multi_reduction <minsi>, %select_n3A_132, %reduce_min3A [1] : vector<2x343xi32> to vector<2xi32>
    %broadcast_in_dim3A_134 = vector.shape_cast %reduce_min3A_133 : vector<2xi32> to vector<2x1xi32>
    %eq3A_135 = vector.broadcast %broadcast_in_dim3A_134 : vector<2x1xi32> to vector<2x343xi32>
    %eq3A_136 = arith.cmpi eq, %iota3A, %eq3A_135 : vector<2x343xi32>
    %jit3A_137 = arith.constant 1.000000e+00 : f32
    %jit3A_138 = arith.constant 0.000000e+00 : f32
    %broadcast_in_dim3A_139 = vector.broadcast %jit3A_137 : f32 to vector<2x343xf32>
    %broadcast_in_dim3A_140 = vector.broadcast %jit3A_138 : f32 to vector<2x343xf32>
    %select_n3A_141 = arith.select %eq3A_136, %broadcast_in_dim3A_139, %broadcast_in_dim3A_140 : vector<2x343xi1>, vector<2x343xf32>
    %sub3A_142 = arith.subf %select_n3A_141, %select_n3A_122 : vector<2x343xf32>
    %add3A_143 = arith.addf %sub3A_142, %select_n3A_122 : vector<2x343xf32>
    %swap3A_144 = arith.constant 0 : index
    %swap3A_145 = arith.constant 0 : index
    %swap3A_146 = vector.load %arg3[%swap3A_144, %swap3A_145] : memref<16x343xf32, #tpu.memory_space<vmem>>, vector<2x343xf32>
    tpu.vector_store %arg3[%swap3A_144, %swap3A_145], %add3A_143 {strides = array<i32>} : memref<16x343xf32, #tpu.memory_space<vmem>>, vector<2x343xf32>,
    %jit3A_147 = arith.constant 49 : i32
    %div3A_148 = vector.broadcast %jit3A_147 : i32 to vector<2x1xi32>
    %div3A_149 = arith.divsi %broadcast_in_dim3A_134, %div3A_148 : vector<2x1xi32>
    %sign3A_150 = arith.constant 0 : i32
    %sign3A_151 = vector.broadcast %sign3A_150 : i32 to vector<2x1xi32>
    %sign3A_152 = arith.cmpi sgt, %broadcast_in_dim3A_134, %sign3A_151 : vector<2x1xi32>
    %sign3A_153 = arith.extui %sign3A_152 : vector<2x1xi1> to vector<2x1xi32>
    %sign3A_154 = arith.constant 0 : i32
    %sign3A_155 = vector.broadcast %sign3A_154 : i32 to vector<2x1xi32>
    %sign3A_156 = arith.cmpi slt, %broadcast_in_dim3A_134, %sign3A_155 : vector<2x1xi32>
    %sign3A_157 = arith.extui %sign3A_156 : vector<2x1xi1> to vector<2x1xi32>
    %sign3A_158 = arith.subi %sign3A_153, %sign3A_157 : vector<2x1xi32>
    %sign3A_159 = arith.constant 0 : i32
    %sign3A_160 = arith.cmpi sgt, %jit3A_147, %sign3A_159 : i32
    %sign3A_161 = arith.extui %sign3A_160 : i1 to i32
    %sign3A_162 = arith.constant 0 : i32
    %sign3A_163 = arith.cmpi slt, %jit3A_147, %sign3A_162 : i32
    %sign3A_164 = arith.extui %sign3A_163 : i1 to i32
    %sign3A_165 = arith.subi %sign3A_161, %sign3A_164 : i32
    %ne3A_166 = vector.broadcast %sign3A_165 : i32 to vector<2x1xi32>
    %ne3A_167 = arith.cmpi ne, %sign3A_158, %ne3A_166 : vector<2x1xi32>
    %rem3A_168 = vector.broadcast %jit3A_147 : i32 to vector<2x1xi32>
    %rem3A_169 = arith.remsi %broadcast_in_dim3A_134, %rem3A_168 : vector<2x1xi32>
    %ne3A_170 = arith.constant 0 : i32
    %ne3A_171 = vector.broadcast %ne3A_170 : i32 to vector<2x1xi32>
    %ne3A_172 = arith.cmpi ne, %rem3A_169, %ne3A_171 : vector<2x1xi32>
    %and3A_173 = arith.andi %ne3A_167, %ne3A_172 : vector<2x1xi1>
    %sub3A_174 = arith.constant 1 : i32
    %sub3A_175 = vector.broadcast %sub3A_174 : i32 to vector<2x1xi32>
    %sub3A_176 = arith.subi %div3A_149, %sub3A_175 : vector<2x1xi32>
    %select_n3A_177 = arith.select %and3A_173, %sub3A_176, %div3A_149 : vector<2x1xi1>, vector<2x1xi32>
    %jit3A_178 = arith.constant 7 : i32
    %div3A_179 = vector.broadcast %jit3A_178 : i32 to vector<2x1xi32>
    %div3A_180 = arith.divsi %broadcast_in_dim3A_134, %div3A_179 : vector<2x1xi32>
    %sign3A_181 = arith.constant 0 : i32
    %sign3A_182 = vector.broadcast %sign3A_181 : i32 to vector<2x1xi32>
    %sign3A_183 = arith.cmpi sgt, %broadcast_in_dim3A_134, %sign3A_182 : vector<2x1xi32>
    %sign3A_184 = arith.extui %sign3A_183 : vector<2x1xi1> to vector<2x1xi32>
    %sign3A_185 = arith.constant 0 : i32
    %sign3A_186 = vector.broadcast %sign3A_185 : i32 to vector<2x1xi32>
    %sign3A_187 = arith.cmpi slt, %broadcast_in_dim3A_134, %sign3A_186 : vector<2x1xi32>
    %sign3A_188 = arith.extui %sign3A_187 : vector<2x1xi1> to vector<2x1xi32>
    %sign3A_189 = arith.subi %sign3A_184, %sign3A_188 : vector<2x1xi32>
    %sign3A_190 = arith.constant 0 : i32
    %sign3A_191 = arith.cmpi sgt, %jit3A_178, %sign3A_190 : i32
    %sign3A_192 = arith.extui %sign3A_191 : i1 to i32
    %sign3A_193 = arith.constant 0 : i32
    %sign3A_194 = arith.cmpi slt, %jit3A_178, %sign3A_193 : i32
    %sign3A_195 = arith.extui %sign3A_194 : i1 to i32
    %sign3A_196 = arith.subi %sign3A_192, %sign3A_195 : i32
    %ne3A_197 = vector.broadcast %sign3A_196 : i32 to vector<2x1xi32>
    %ne3A_198 = arith.cmpi ne, %sign3A_189, %ne3A_197 : vector<2x1xi32>
    %rem3A_199 = vector.broadcast %jit3A_178 : i32 to vector<2x1xi32>
    %rem3A_200 = arith.remsi %broadcast_in_dim3A_134, %rem3A_199 : vector<2x1xi32>
    %ne3A_201 = arith.constant 0 : i32
    %ne3A_202 = vector.broadcast %ne3A_201 : i32 to vector<2x1xi32>
    %ne3A_203 = arith.cmpi ne, %rem3A_200, %ne3A_202 : vector<2x1xi32>
    %and3A_204 = arith.andi %ne3A_198, %ne3A_203 : vector<2x1xi1>
    %sub3A_205 = arith.constant 1 : i32
    %sub3A_206 = vector.broadcast %sub3A_205 : i32 to vector<2x1xi32>
    %sub3A_207 = arith.subi %div3A_180, %sub3A_206 : vector<2x1xi32>
    %select_n3A_208 = arith.select %and3A_204, %sub3A_207, %div3A_180 : vector<2x1xi1>, vector<2x1xi32>
    %jit3A_209 = arith.constant 7 : i32
    %eq3A_210 = arith.constant 0 : i32
    %eq3A_211 = arith.cmpi eq, %jit3A_209, %eq3A_210 : i32
    %jit3A_212 = arith.constant 1 : i32
    %select_n3A_213 = arith.select %eq3A_211, %jit3A_212, %jit3A_209 : i32
    %rem3A_214 = vector.broadcast %select_n3A_213 : i32 to vector<2x1xi32>
    %rem3A_215 = arith.remsi %select_n3A_208, %rem3A_214 : vector<2x1xi32>
    %ne3A_216 = arith.constant 0 : i32
    %ne3A_217 = vector.broadcast %ne3A_216 : i32 to vector<2x1xi32>
    %ne3A_218 = arith.cmpi ne, %rem3A_215, %ne3A_217 : vector<2x1xi32>
    %lt3A_219 = arith.constant 0 : i32
    %lt3A_220 = vector.broadcast %lt3A_219 : i32 to vector<2x1xi32>
    %lt3A_221 = arith.cmpi slt, %rem3A_215, %lt3A_220 : vector<2x1xi32>
    %lt3A_222 = arith.constant 0 : i32
    %lt3A_223 = arith.cmpi slt, %select_n3A_213, %lt3A_222 : i32
    %ne3A_224 = vector.broadcast %lt3A_223 : i1 to vector<2x1xi1>
    %ne3A_225 = vector.broadcast %ne3A_224 : vector<2x1xi1> to vector<2x1xi1>
    %ne3A_226 = arith.xori %lt3A_221, %ne3A_225 : vector<2x1xi1>
    %and3A_227 = arith.andi %ne3A_226, %ne3A_218 : vector<2x1xi1>
    %add3A_228 = vector.broadcast %select_n3A_213 : i32 to vector<2x1xi32>
    %add3A_229 = arith.addi %rem3A_215, %add3A_228 : vector<2x1xi32>
    %select_n3A_230 = arith.select %and3A_227, %add3A_229, %rem3A_215 : vector<2x1xi1>, vector<2x1xi32>
    %jit3A_231 = arith.constant 7 : i32
    %eq3A_232 = arith.constant 0 : i32
    %eq3A_233 = arith.cmpi eq, %jit3A_231, %eq3A_232 : i32
    %jit3A_234 = arith.constant 1 : i32
    %select_n3A_235 = arith.select %eq3A_233, %jit3A_234, %jit3A_231 : i32
    %rem3A_236 = vector.broadcast %select_n3A_235 : i32 to vector<2x1xi32>
    %rem3A_237 = arith.remsi %broadcast_in_dim3A_134, %rem3A_236 : vector<2x1xi32>
    %ne3A_238 = arith.constant 0 : i32
    %ne3A_239 = vector.broadcast %ne3A_238 : i32 to vector<2x1xi32>
    %ne3A_240 = arith.cmpi ne, %rem3A_237, %ne3A_239 : vector<2x1xi32>
    %lt3A_241 = arith.constant 0 : i32
    %lt3A_242 = vector.broadcast %lt3A_241 : i32 to vector<2x1xi32>
    %lt3A_243 = arith.cmpi slt, %rem3A_237, %lt3A_242 : vector<2x1xi32>
    %lt3A_244 = arith.constant 0 : i32
    %lt3A_245 = arith.cmpi slt, %select_n3A_235, %lt3A_244 : i32
    %ne3A_246 = vector.broadcast %lt3A_245 : i1 to vector<2x1xi1>
    %ne3A_247 = vector.broadcast %ne3A_246 : vector<2x1xi1> to vector<2x1xi1>
    %ne3A_248 = arith.xori %lt3A_243, %ne3A_247 : vector<2x1xi1>
    %and3A_249 = arith.andi %ne3A_248, %ne3A_240 : vector<2x1xi1>
    %add3A_250 = vector.broadcast %select_n3A_235 : i32 to vector<2x1xi32>
    %add3A_251 = arith.addi %rem3A_237, %add3A_250 : vector<2x1xi32>
    %select_n3A_252 = arith.select %and3A_249, %add3A_251, %rem3A_237 : vector<2x1xi1>, vector<2x1xi32>
    %iota3A_253 = tpu.iota {dimensions = array<i32: 0>} : vector<2x1xi32>
    %mul3A_254 = arith.constant 131072 : i32
    %mul3A_255 = vector.broadcast %mul3A_254 : i32 to vector<2x1xi32>
    %mul3A_256 = arith.muli %iota3A_253, %mul3A_255 : vector<2x1xi32>
    %mul3A_257 = arith.constant 16384 : i32
    %mul3A_258 = vector.broadcast %mul3A_257 : i32 to vector<2x1xi32>
    %mul3A_259 = arith.muli %select_n3A_177, %mul3A_258 : vector<2x1xi32>
    %add3A_260 = arith.addi %mul3A_256, %mul3A_259 : vector<2x1xi32>
    %mul3A_261 = arith.constant 128 : i32
    %mul3A_262 = vector.broadcast %mul3A_261 : i32 to vector<2x1xi32>
    %mul3A_263 = arith.muli %select_n3A_230, %mul3A_262 : vector<2x1xi32>
    %add3A_264 = arith.addi %add3A_260, %mul3A_263 : vector<2x1xi32>
    %add3A_265 = arith.addi %add3A_264, %select_n3A_252 : vector<2x1xi32>
    %add3A_266 = vector.broadcast %add3A_265 : vector<2x1xi32> to vector<2x2048xi32>
    %add3A_267 = arith.addi %add3A_266, %add3A_106 : vector<2x2048xi32>
    %swap3A_268 = arith.constant 0 : index
    %swap3A_269 = arith.constant 0 : index
    %swap3A_270 = vector.load %arg4[%swap3A_268, %swap3A_269] : memref<16x2048xi32, #tpu.memory_space<vmem>>, vector<2x2048xi32>
    tpu.vector_store %arg4[%swap3A_268, %swap3A_269], %add3A_267 {strides = array<i32>} : memref<16x2048xi32, #tpu.memory_space<vmem>>, vector<2x2048xi32>,
    %reduce_max3A_271 = arith.constant dense<0xFF800000> : vector<2xf32>
    %reduce_max3A_272 = vector.multi_reduction <maximumf>, %select_n3A_122, %reduce_max3A_271 [1] : vector<2x343xf32> to vector<2xf32>
    %broadcast_in_dim3A_273 = vector.shape_cast %reduce_max3A_272 : vector<2xf32> to vector<2x1xf32>
    %eq3A_274 = vector.broadcast %broadcast_in_dim3A_273 : vector<2x1xf32> to vector<2x343xf32>
    %eq3A_275 = arith.cmpf oeq, %select_n3A_122, %eq3A_274 : vector<2x343xf32>
    %jit3A_276 = arith.constant 343 : i32
    %broadcast_in_dim3A_277 = vector.broadcast %jit3A_276 : i32 to vector<2x343xi32>
    %select_n3A_278 = arith.select %eq3A_275, %iota3A, %broadcast_in_dim3A_277 : vector<2x343xi1>, vector<2x343xi32>
    %reduce_min3A_279 = arith.constant dense<2147483647> : vector<2xi32>
    %reduce_min3A_280 = vector.multi_reduction <minsi>, %select_n3A_278, %reduce_min3A_279 [1] : vector<2x343xi32> to vector<2xi32>
    %broadcast_in_dim3A_281 = vector.shape_cast %reduce_min3A_280 : vector<2xi32> to vector<2x1xi32>
    %eq3A_282 = vector.broadcast %broadcast_in_dim3A_281 : vector<2x1xi32> to vector<2x343xi32>
    %eq3A_283 = arith.cmpi eq, %iota3A, %eq3A_282 : vector<2x343xi32>
    %jit3A_284 = arith.constant 0xFF800000 : f32
    %broadcast_in_dim3A_285 = vector.broadcast %jit3A_284 : f32 to vector<2x343xf32>
    %select_n3A_286 = arith.select %eq3A_283, %broadcast_in_dim3A_285, %get3A_3 : vector<2x343xi1>, vector<2x343xf32>
    %gt3A_287 = arith.constant 1 : i32
    %gt3A_288 = arith.cmpi sgt, %get3A_0, %gt3A_287 : i32
    %select_n3A_289 = arith.select %gt3A_288, %select_n3A_286, %get3A_3 : vector<2x343xf32>
    %div3A_290 = arith.constant 0.666666686 : f32
    %div3A_291 = vector.broadcast %div3A_290 : f32 to vector<2x343xf32>
    %div3A_292 = arith.divf %select_n3A_289, %div3A_291 : vector<2x343xf32>
    %reduce_max3A_293 = arith.constant dense<0xFF800000> : vector<2xf32>
    %reduce_max3A_294 = vector.multi_reduction <maximumf>, %div3A_292, %reduce_max3A_293 [1] : vector<2x343xf32> to vector<2xf32>
    %max3A_295 = arith.constant 0xFF800000 : f32
    %max3A_296 = vector.broadcast %max3A_295 : f32 to vector<2xf32>
    %max3A_297 = arith.maximumf %max3A_296, %reduce_max3A_294 : vector<2xf32>
    %broadcast_in_dim3A_298 = vector.shape_cast %max3A_297 : vector<2xf32> to vector<2x1xf32>
    %sub3A_299 = vector.broadcast %broadcast_in_dim3A_298 : vector<2x1xf32> to vector<2x343xf32>
    %sub3A_300 = arith.subf %div3A_292, %sub3A_299 : vector<2x343xf32>
    %exp3A_301 = math.exp %sub3A_300 : vector<2x343xf32>
    %reduce_sum3A_302 = arith.constant dense<0.000000e+00> : vector<2xf32>
    %reduce_sum3A_303 = vector.multi_reduction <add>, %exp3A_301, %reduce_sum3A_302 [1] : vector<2x343xf32> to vector<2xf32>
    %broadcast_in_dim3A_304 = vector.shape_cast %reduce_sum3A_303 : vector<2xf32> to vector<2x1xf32>
    %div3A_305 = vector.broadcast %broadcast_in_dim3A_304 : vector<2x1xf32> to vector<2x343xf32>
    %div3A_306 = arith.divf %exp3A_301, %div3A_305 : vector<2x343xf32>
    %gt3A_307 = arith.constant 1 : i32
    %gt3A_308 = arith.cmpi sgt, %get3A_0, %gt3A_307 : i32
    %broadcast_in_dim3A_309 = arith.constant 0.000000e+00 : f32
    %broadcast_in_dim3A_310 = vector.broadcast %broadcast_in_dim3A_309 : f32 to vector<2x343xf32>
    %select_n3A_311 = arith.select %gt3A_308, %div3A_306, %broadcast_in_dim3A_310 : vector<2x343xf32>
    %swap3A_312 = arith.constant 2 : index
    %swap3A_313 = arith.constant 0 : index
    %swap3A_314 = vector.load %arg2[%swap3A_312, %swap3A_313] : memref<16x343xf32, #tpu.memory_space<vmem>>, vector<2x343xf32>
    tpu.vector_store %arg2[%swap3A_312, %swap3A_313], %select_n3A_311 {strides = array<i32>} : memref<16x343xf32, #tpu.memory_space<vmem>>, vector<2x343xf32>,
    %reduce_max3A_315 = arith.constant dense<0xFF800000> : vector<2xf32>
    %reduce_max3A_316 = vector.multi_reduction <maximumf>, %select_n3A_311, %reduce_max3A_315 [1] : vector<2x343xf32> to vector<2xf32>
    %broadcast_in_dim3A_317 = vector.shape_cast %reduce_max3A_316 : vector<2xf32> to vector<2x1xf32>
    %eq3A_318 = vector.broadcast %broadcast_in_dim3A_317 : vector<2x1xf32> to vector<2x343xf32>
    %eq3A_319 = arith.cmpf oeq, %select_n3A_311, %eq3A_318 : vector<2x343xf32>
    %jit3A_320 = arith.constant 343 : i32
    %broadcast_in_dim3A_321 = vector.broadcast %jit3A_320 : i32 to vector<2x343xi32>
    %select_n3A_322 = arith.select %eq3A_319, %iota3A, %broadcast_in_dim3A_321 : vector<2x343xi1>, vector<2x343xi32>
    %reduce_min3A_323 = arith.constant dense<2147483647> : vector<2xi32>
    %reduce_min3A_324 = vector.multi_reduction <minsi>, %select_n3A_322, %reduce_min3A_323 [1] : vector<2x343xi32> to vector<2xi32>
    %broadcast_in_dim3A_325 = vector.shape_cast %reduce_min3A_324 : vector<2xi32> to vector<2x1xi32>
    %eq3A_326 = vector.broadcast %broadcast_in_dim3A_325 : vector<2x1xi32> to vector<2x343xi32>
    %eq3A_327 = arith.cmpi eq, %iota3A, %eq3A_326 : vector<2x343xi32>
    %jit3A_328 = arith.constant 1.000000e+00 : f32
    %jit3A_329 = arith.constant 0.000000e+00 : f32
    %broadcast_in_dim3A_330 = vector.broadcast %jit3A_328 : f32 to vector<2x343xf32>
    %broadcast_in_dim3A_331 = vector.broadcast %jit3A_329 : f32 to vector<2x343xf32>
    %select_n3A_332 = arith.select %eq3A_327, %broadcast_in_dim3A_330, %broadcast_in_dim3A_331 : vector<2x343xi1>, vector<2x343xf32>
    %sub3A_333 = arith.subf %select_n3A_332, %select_n3A_311 : vector<2x343xf32>
    %add3A_334 = arith.addf %sub3A_333, %select_n3A_311 : vector<2x343xf32>
    %swap3A_335 = arith.constant 2 : index
    %swap3A_336 = arith.constant 0 : index
    %swap3A_337 = vector.load %arg3[%swap3A_335, %swap3A_336] : memref<16x343xf32, #tpu.memory_space<vmem>>, vector<2x343xf32>
    tpu.vector_store %arg3[%swap3A_335, %swap3A_336], %add3A_334 {strides = array<i32>} : memref<16x343xf32, #tpu.memory_space<vmem>>, vector<2x343xf32>,
    %jit3A_338 = arith.constant 49 : i32
    %div3A_339 = vector.broadcast %jit3A_338 : i32 to vector<2x1xi32>
    %div3A_340 = arith.divsi %broadcast_in_dim3A_325, %div3A_339 : vector<2x1xi32>
    %sign3A_341 = arith.constant 0 : i32
    %sign3A_342 = vector.broadcast %sign3A_341 : i32 to vector<2x1xi32>
    %sign3A_343 = arith.cmpi sgt, %broadcast_in_dim3A_325, %sign3A_342 : vector<2x1xi32>
    %sign3A_344 = arith.extui %sign3A_343 : vector<2x1xi1> to vector<2x1xi32>
    %sign3A_345 = arith.constant 0 : i32
    %sign3A_346 = vector.broadcast %sign3A_345 : i32 to vector<2x1xi32>
    %sign3A_347 = arith.cmpi slt, %broadcast_in_dim3A_325, %sign3A_346 : vector<2x1xi32>
    %sign3A_348 = arith.extui %sign3A_347 : vector<2x1xi1> to vector<2x1xi32>
    %sign3A_349 = arith.subi %sign3A_344, %sign3A_348 : vector<2x1xi32>
    %sign3A_350 = arith.constant 0 : i32
    %sign3A_351 = arith.cmpi sgt, %jit3A_338, %sign3A_350 : i32
    %sign3A_352 = arith.extui %sign3A_351 : i1 to i32
    %sign3A_353 = arith.constant 0 : i32
    %sign3A_354 = arith.cmpi slt, %jit3A_338, %sign3A_353 : i32
    %sign3A_355 = arith.extui %sign3A_354 : i1 to i32
    %sign3A_356 = arith.subi %sign3A_352, %sign3A_355 : i32
    %ne3A_357 = vector.broadcast %sign3A_356 : i32 to vector<2x1xi32>
    %ne3A_358 = arith.cmpi ne, %sign3A_349, %ne3A_357 : vector<2x1xi32>
    %rem3A_359 = vector.broadcast %jit3A_338 : i32 to vector<2x1xi32>
    %rem3A_360 = arith.remsi %broadcast_in_dim3A_325, %rem3A_359 : vector<2x1xi32>
    %ne3A_361 = arith.constant 0 : i32
    %ne3A_362 = vector.broadcast %ne3A_361 : i32 to vector<2x1xi32>
    %ne3A_363 = arith.cmpi ne, %rem3A_360, %ne3A_362 : vector<2x1xi32>
    %and3A_364 = arith.andi %ne3A_358, %ne3A_363 : vector<2x1xi1>
    %sub3A_365 = arith.constant 1 : i32
    %sub3A_366 = vector.broadcast %sub3A_365 : i32 to vector<2x1xi32>
    %sub3A_367 = arith.subi %div3A_340, %sub3A_366 : vector<2x1xi32>
    %select_n3A_368 = arith.select %and3A_364, %sub3A_367, %div3A_340 : vector<2x1xi1>, vector<2x1xi32>
    %jit3A_369 = arith.constant 7 : i32
    %div3A_370 = vector.broadcast %jit3A_369 : i32 to vector<2x1xi32>
    %div3A_371 = arith.divsi %broadcast_in_dim3A_325, %div3A_370 : vector<2x1xi32>
    %sign3A_372 = arith.constant 0 : i32
    %sign3A_373 = vector.broadcast %sign3A_372 : i32 to vector<2x1xi32>
    %sign3A_374 = arith.cmpi sgt, %broadcast_in_dim3A_325, %sign3A_373 : vector<2x1xi32>
    %sign3A_375 = arith.extui %sign3A_374 : vector<2x1xi1> to vector<2x1xi32>
    %sign3A_376 = arith.constant 0 : i32
    %sign3A_377 = vector.broadcast %sign3A_376 : i32 to vector<2x1xi32>
    %sign3A_378 = arith.cmpi slt, %broadcast_in_dim3A_325, %sign3A_377 : vector<2x1xi32>
    %sign3A_379 = arith.extui %sign3A_378 : vector<2x1xi1> to vector<2x1xi32>
    %sign3A_380 = arith.subi %sign3A_375, %sign3A_379 : vector<2x1xi32>
    %sign3A_381 = arith.constant 0 : i32
    %sign3A_382 = arith.cmpi sgt, %jit3A_369, %sign3A_381 : i32
    %sign3A_383 = arith.extui %sign3A_382 : i1 to i32
    %sign3A_384 = arith.constant 0 : i32
    %sign3A_385 = arith.cmpi slt, %jit3A_369, %sign3A_384 : i32
    %sign3A_386 = arith.extui %sign3A_385 : i1 to i32
    %sign3A_387 = arith.subi %sign3A_383, %sign3A_386 : i32
    %ne3A_388 = vector.broadcast %sign3A_387 : i32 to vector<2x1xi32>
    %ne3A_389 = arith.cmpi ne, %sign3A_380, %ne3A_388 : vector<2x1xi32>
    %rem3A_390 = vector.broadcast %jit3A_369 : i32 to vector<2x1xi32>
    %rem3A_391 = arith.remsi %broadcast_in_dim3A_325, %rem3A_390 : vector<2x1xi32>
    %ne3A_392 = arith.constant 0 : i32
    %ne3A_393 = vector.broadcast %ne3A_392 : i32 to vector<2x1xi32>
    %ne3A_394 = arith.cmpi ne, %rem3A_391, %ne3A_393 : vector<2x1xi32>
    %and3A_395 = arith.andi %ne3A_389, %ne3A_394 : vector<2x1xi1>
    %sub3A_396 = arith.constant 1 : i32
    %sub3A_397 = vector.broadcast %sub3A_396 : i32 to vector<2x1xi32>
    %sub3A_398 = arith.subi %div3A_371, %sub3A_397 : vector<2x1xi32>
    %select_n3A_399 = arith.select %and3A_395, %sub3A_398, %div3A_371 : vector<2x1xi1>, vector<2x1xi32>
    %jit3A_400 = arith.constant 7 : i32
    %eq3A_401 = arith.constant 0 : i32
    %eq3A_402 = arith.cmpi eq, %jit3A_400, %eq3A_401 : i32
    %jit3A_403 = arith.constant 1 : i32
    %select_n3A_404 = arith.select %eq3A_402, %jit3A_403, %jit3A_400 : i32
    %rem3A_405 = vector.broadcast %select_n3A_404 : i32 to vector<2x1xi32>
    %rem3A_406 = arith.remsi %select_n3A_399, %rem3A_405 : vector<2x1xi32>
    %ne3A_407 = arith.constant 0 : i32
    %ne3A_408 = vector.broadcast %ne3A_407 : i32 to vector<2x1xi32>
    %ne3A_409 = arith.cmpi ne, %rem3A_406, %ne3A_408 : vector<2x1xi32>
    %lt3A_410 = arith.constant 0 : i32
    %lt3A_411 = vector.broadcast %lt3A_410 : i32 to vector<2x1xi32>
    %lt3A_412 = arith.cmpi slt, %rem3A_406, %lt3A_411 : vector<2x1xi32>
    %lt3A_413 = arith.constant 0 : i32
    %lt3A_414 = arith.cmpi slt, %select_n3A_404, %lt3A_413 : i32
    %ne3A_415 = vector.broadcast %lt3A_414 : i1 to vector<2x1xi1>
    %ne3A_416 = vector.broadcast %ne3A_415 : vector<2x1xi1> to vector<2x1xi1>
    %ne3A_417 = arith.xori %lt3A_412, %ne3A_416 : vector<2x1xi1>
    %and3A_418 = arith.andi %ne3A_417, %ne3A_409 : vector<2x1xi1>
    %add3A_419 = vector.broadcast %select_n3A_404 : i32 to vector<2x1xi32>
    %add3A_420 = arith.addi %rem3A_406, %add3A_419 : vector<2x1xi32>
    %select_n3A_421 = arith.select %and3A_418, %add3A_420, %rem3A_406 : vector<2x1xi1>, vector<2x1xi32>
    %jit3A_422 = arith.constant 7 : i32
    %eq3A_423 = arith.constant 0 : i32
    %eq3A_424 = arith.cmpi eq, %jit3A_422, %eq3A_423 : i32
    %jit3A_425 = arith.constant 1 : i32
    %select_n3A_426 = arith.select %eq3A_424, %jit3A_425, %jit3A_422 : i32
    %rem3A_427 = vector.broadcast %select_n3A_426 : i32 to vector<2x1xi32>
    %rem3A_428 = arith.remsi %broadcast_in_dim3A_325, %rem3A_427 : vector<2x1xi32>
    %ne3A_429 = arith.constant 0 : i32
    %ne3A_430 = vector.broadcast %ne3A_429 : i32 to vector<2x1xi32>
    %ne3A_431 = arith.cmpi ne, %rem3A_428, %ne3A_430 : vector<2x1xi32>
    %lt3A_432 = arith.constant 0 : i32
    %lt3A_433 = vector.broadcast %lt3A_432 : i32 to vector<2x1xi32>
    %lt3A_434 = arith.cmpi slt, %rem3A_428, %lt3A_433 : vector<2x1xi32>
    %lt3A_435 = arith.constant 0 : i32
    %lt3A_436 = arith.cmpi slt, %select_n3A_426, %lt3A_435 : i32
    %ne3A_437 = vector.broadcast %lt3A_436 : i1 to vector<2x1xi1>
    %ne3A_438 = vector.broadcast %ne3A_437 : vector<2x1xi1> to vector<2x1xi1>
    %ne3A_439 = arith.xori %lt3A_434, %ne3A_438 : vector<2x1xi1>
    %and3A_440 = arith.andi %ne3A_439, %ne3A_431 : vector<2x1xi1>
    %add3A_441 = vector.broadcast %select_n3A_426 : i32 to vector<2x1xi32>
    %add3A_442 = arith.addi %rem3A_428, %add3A_441 : vector<2x1xi32>
    %select_n3A_443 = arith.select %and3A_440, %add3A_442, %rem3A_428 : vector<2x1xi1>, vector<2x1xi32>
    %iota3A_444 = tpu.iota {dimensions = array<i32: 0>} : vector<2x1xi32>
    %mul3A_445 = arith.constant 131072 : i32
    %mul3A_446 = vector.broadcast %mul3A_445 : i32 to vector<2x1xi32>
    %mul3A_447 = arith.muli %iota3A_444, %mul3A_446 : vector<2x1xi32>
    %mul3A_448 = arith.constant 16384 : i32
    %mul3A_449 = vector.broadcast %mul3A_448 : i32 to vector<2x1xi32>
    %mul3A_450 = arith.muli %select_n3A_368, %mul3A_449 : vector<2x1xi32>
    %add3A_451 = arith.addi %mul3A_447, %mul3A_450 : vector<2x1xi32>
    %mul3A_452 = arith.constant 128 : i32
    %mul3A_453 = vector.broadcast %mul3A_452 : i32 to vector<2x1xi32>
    %mul3A_454 = arith.muli %select_n3A_421, %mul3A_453 : vector<2x1xi32>
    %add3A_455 = arith.addi %add3A_451, %mul3A_454 : vector<2x1xi32>
    %add3A_456 = arith.addi %add3A_455, %select_n3A_443 : vector<2x1xi32>
    %add3A_457 = vector.broadcast %add3A_456 : vector<2x1xi32> to vector<2x2048xi32>
    %add3A_458 = arith.addi %add3A_457, %add3A_106 : vector<2x2048xi32>
    %swap3A_459 = arith.constant 2 : index
    %swap3A_460 = arith.constant 0 : index
    %swap3A_461 = vector.load %arg4[%swap3A_459, %swap3A_460] : memref<16x2048xi32, #tpu.memory_space<vmem>>, vector<2x2048xi32>
    tpu.vector_store %arg4[%swap3A_459, %swap3A_460], %add3A_458 {strides = array<i32>} : memref<16x2048xi32, #tpu.memory_space<vmem>>, vector<2x2048xi32>,
    %reduce_max3A_462 = arith.constant dense<0xFF800000> : vector<2xf32>
    %reduce_max3A_463 = vector.multi_reduction <maximumf>, %select_n3A_311, %reduce_max3A_462 [1] : vector<2x343xf32> to vector<2xf32>
    %broadcast_in_dim3A_464 = vector.shape_cast %reduce_max3A_463 : vector<2xf32> to vector<2x1xf32>
    %eq3A_465 = vector.broadcast %broadcast_in_dim3A_464 : vector<2x1xf32> to vector<2x343xf32>
    %eq3A_466 = arith.cmpf oeq, %select_n3A_311, %eq3A_465 : vector<2x343xf32>
    %jit3A_467 = arith.constant 343 : i32
    %broadcast_in_dim3A_468 = vector.broadcast %jit3A_467 : i32 to vector<2x343xi32>
    %select_n3A_469 = arith.select %eq3A_466, %iota3A, %broadcast_in_dim3A_468 : vector<2x343xi1>, vector<2x343xi32>
    %reduce_min3A_470 = arith.constant dense<2147483647> : vector<2xi32>
    %reduce_min3A_471 = vector.multi_reduction <minsi>, %select_n3A_469, %reduce_min3A_470 [1] : vector<2x343xi32> to vector<2xi32>
    %broadcast_in_dim3A_472 = vector.shape_cast %reduce_min3A_471 : vector<2xi32> to vector<2x1xi32>
    %eq3A_473 = vector.broadcast %broadcast_in_dim3A_472 : vector<2x1xi32> to vector<2x343xi32>
    %eq3A_474 = arith.cmpi eq, %iota3A, %eq3A_473 : vector<2x343xi32>
    %jit3A_475 = arith.constant 0xFF800000 : f32
    %broadcast_in_dim3A_476 = vector.broadcast %jit3A_475 : f32 to vector<2x343xf32>
    %select_n3A_477 = arith.select %eq3A_474, %broadcast_in_dim3A_476, %select_n3A_289 : vector<2x343xi1>, vector<2x343xf32>
    %gt3A_478 = arith.constant 2 : i32
    %gt3A_479 = arith.cmpi sgt, %get3A_0, %gt3A_478 : i32
    %select_n3A_480 = arith.select %gt3A_479, %select_n3A_477, %select_n3A_289 : vector<2x343xf32>
    %div3A_481 = arith.constant 0.666666686 : f32
    %div3A_482 = vector.broadcast %div3A_481 : f32 to vector<2x343xf32>
    %div3A_483 = arith.divf %select_n3A_480, %div3A_482 : vector<2x343xf32>
    %reduce_max3A_484 = arith.constant dense<0xFF800000> : vector<2xf32>
    %reduce_max3A_485 = vector.multi_reduction <maximumf>, %div3A_483, %reduce_max3A_484 [1] : vector<2x343xf32> to vector<2xf32>
    %max3A_486 = arith.constant 0xFF800000 : f32
    %max3A_487 = vector.broadcast %max3A_486 : f32 to vector<2xf32>
    %max3A_488 = arith.maximumf %max3A_487, %reduce_max3A_485 : vector<2xf32>
    %broadcast_in_dim3A_489 = vector.shape_cast %max3A_488 : vector<2xf32> to vector<2x1xf32>
    %sub3A_490 = vector.broadcast %broadcast_in_dim3A_489 : vector<2x1xf32> to vector<2x343xf32>
    %sub3A_491 = arith.subf %div3A_483, %sub3A_490 : vector<2x343xf32>
    %exp3A_492 = math.exp %sub3A_491 : vector<2x343xf32>
    %reduce_sum3A_493 = arith.constant dense<0.000000e+00> : vector<2xf32>
    %reduce_sum3A_494 = vector.multi_reduction <add>, %exp3A_492, %reduce_sum3A_493 [1] : vector<2x343xf32> to vector<2xf32>
    %broadcast_in_dim3A_495 = vector.shape_cast %reduce_sum3A_494 : vector<2xf32> to vector<2x1xf32>
    %div3A_496 = vector.broadcast %broadcast_in_dim3A_495 : vector<2x1xf32> to vector<2x343xf32>
    %div3A_497 = arith.divf %exp3A_492, %div3A_496 : vector<2x343xf32>
    %gt3A_498 = arith.constant 2 : i32
    %gt3A_499 = arith.cmpi sgt, %get3A_0, %gt3A_498 : i32
    %broadcast_in_dim3A_500 = arith.constant 0.000000e+00 : f32
    %broadcast_in_dim3A_501 = vector.broadcast %broadcast_in_dim3A_500 : f32 to vector<2x343xf32>
    %select_n3A_502 = arith.select %gt3A_499, %div3A_497, %broadcast_in_dim3A_501 : vector<2x343xf32>
    %swap3A_503 = arith.constant 4 : index
    %swap3A_504 = arith.constant 0 : index
    %swap3A_505 = vector.load %arg2[%swap3A_503, %swap3A_504] : memref<16x343xf32, #tpu.memory_space<vmem>>, vector<2x343xf32>
    tpu.vector_store %arg2[%swap3A_503, %swap3A_504], %select_n3A_502 {strides = array<i32>} : memref<16x343xf32, #tpu.memory_space<vmem>>, vector<2x343xf32>,
    %reduce_max3A_506 = arith.constant dense<0xFF800000> : vector<2xf32>
    %reduce_max3A_507 = vector.multi_reduction <maximumf>, %select_n3A_502, %reduce_max3A_506 [1] : vector<2x343xf32> to vector<2xf32>
    %broadcast_in_dim3A_508 = vector.shape_cast %reduce_max3A_507 : vector<2xf32> to vector<2x1xf32>
    %eq3A_509 = vector.broadcast %broadcast_in_dim3A_508 : vector<2x1xf32> to vector<2x343xf32>
    %eq3A_510 = arith.cmpf oeq, %select_n3A_502, %eq3A_509 : vector<2x343xf32>
    %jit3A_511 = arith.constant 343 : i32
    %broadcast_in_dim3A_512 = vector.broadcast %jit3A_511 : i32 to vector<2x343xi32>
    %select_n3A_513 = arith.select %eq3A_510, %iota3A, %broadcast_in_dim3A_512 : vector<2x343xi1>, vector<2x343xi32>
    %reduce_min3A_514 = arith.constant dense<2147483647> : vector<2xi32>
    %reduce_min3A_515 = vector.multi_reduction <minsi>, %select_n3A_513, %reduce_min3A_514 [1] : vector<2x343xi32> to vector<2xi32>
    %broadcast_in_dim3A_516 = vector.shape_cast %reduce_min3A_515 : vector<2xi32> to vector<2x1xi32>
    %eq3A_517 = vector.broadcast %broadcast_in_dim3A_516 : vector<2x1xi32> to vector<2x343xi32>
    %eq3A_518 = arith.cmpi eq, %iota3A, %eq3A_517 : vector<2x343xi32>
    %jit3A_519 = arith.constant 1.000000e+00 : f32
    %jit3A_520 = arith.constant 0.000000e+00 : f32
    %broadcast_in_dim3A_521 = vector.broadcast %jit3A_519 : f32 to vector<2x343xf32>
    %broadcast_in_dim3A_522 = vector.broadcast %jit3A_520 : f32 to vector<2x343xf32>
    %select_n3A_523 = arith.select %eq3A_518, %broadcast_in_dim3A_521, %broadcast_in_dim3A_522 : vector<2x343xi1>, vector<2x343xf32>
    %sub3A_524 = arith.subf %select_n3A_523, %select_n3A_502 : vector<2x343xf32>
    %add3A_525 = arith.addf %sub3A_524, %select_n3A_502 : vector<2x343xf32>
    %swap3A_526 = arith.constant 4 : index
    %swap3A_527 = arith.constant 0 : index
    %swap3A_528 = vector.load %arg3[%swap3A_526, %swap3A_527] : memref<16x343xf32, #tpu.memory_space<vmem>>, vector<2x343xf32>
    tpu.vector_store %arg3[%swap3A_526, %swap3A_527], %add3A_525 {strides = array<i32>} : memref<16x343xf32, #tpu.memory_space<vmem>>, vector<2x343xf32>,
    %jit3A_529 = arith.constant 49 : i32
    %div3A_530 = vector.broadcast %jit3A_529 : i32 to vector<2x1xi32>
    %div3A_531 = arith.divsi %broadcast_in_dim3A_516, %div3A_530 : vector<2x1xi32>
    %sign3A_532 = arith.constant 0 : i32
    %sign3A_533 = vector.broadcast %sign3A_532 : i32 to vector<2x1xi32>
    %sign3A_534 = arith.cmpi sgt, %broadcast_in_dim3A_516, %sign3A_533 : vector<2x1xi32>
    %sign3A_535 = arith.extui %sign3A_534 : vector<2x1xi1> to vector<2x1xi32>
    %sign3A_536 = arith.constant 0 : i32
    %sign3A_537 = vector.broadcast %sign3A_536 : i32 to vector<2x1xi32>
    %sign3A_538 = arith.cmpi slt, %broadcast_in_dim3A_516, %sign3A_537 : vector<2x1xi32>
    %sign3A_539 = arith.extui %sign3A_538 : vector<2x1xi1> to vector<2x1xi32>
    %sign3A_540 = arith.subi %sign3A_535, %sign3A_539 : vector<2x1xi32>
    %sign3A_541 = arith.constant 0 : i32
    %sign3A_542 = arith.cmpi sgt, %jit3A_529, %sign3A_541 : i32
    %sign3A_543 = arith.extui %sign3A_542 : i1 to i32
    %sign3A_544 = arith.constant 0 : i32
    %sign3A_545 = arith.cmpi slt, %jit3A_529, %sign3A_544 : i32
    %sign3A_546 = arith.extui %sign3A_545 : i1 to i32
    %sign3A_547 = arith.subi %sign3A_543, %sign3A_546 : i32
    %ne3A_548 = vector.broadcast %sign3A_547 : i32 to vector<2x1xi32>
    %ne3A_549 = arith.cmpi ne, %sign3A_540, %ne3A_548 : vector<2x1xi32>
    %rem3A_550 = vector.broadcast %jit3A_529 : i32 to vector<2x1xi32>
    %rem3A_551 = arith.remsi %broadcast_in_dim3A_516, %rem3A_550 : vector<2x1xi32>
    %ne3A_552 = arith.constant 0 : i32
    %ne3A_553 = vector.broadcast %ne3A_552 : i32 to vector<2x1xi32>
    %ne3A_554 = arith.cmpi ne, %rem3A_551, %ne3A_553 : vector<2x1xi32>
    %and3A_555 = arith.andi %ne3A_549, %ne3A_554 : vector<2x1xi1>
    %sub3A_556 = arith.constant 1 : i32
    %sub3A_557 = vector.broadcast %sub3A_556 : i32 to vector<2x1xi32>
    %sub3A_558 = arith.subi %div3A_531, %sub3A_557 : vector<2x1xi32>
    %select_n3A_559 = arith.select %and3A_555, %sub3A_558, %div3A_531 : vector<2x1xi1>, vector<2x1xi32>
    %jit3A_560 = arith.constant 7 : i32
    %div3A_561 = vector.broadcast %jit3A_560 : i32 to vector<2x1xi32>
    %div3A_562 = arith.divsi %broadcast_in_dim3A_516, %div3A_561 : vector<2x1xi32>
    %sign3A_563 = arith.constant 0 : i32
    %sign3A_564 = vector.broadcast %sign3A_563 : i32 to vector<2x1xi32>
    %sign3A_565 = arith.cmpi sgt, %broadcast_in_dim3A_516, %sign3A_564 : vector<2x1xi32>
    %sign3A_566 = arith.extui %sign3A_565 : vector<2x1xi1> to vector<2x1xi32>
    %sign3A_567 = arith.constant 0 : i32
    %sign3A_568 = vector.broadcast %sign3A_567 : i32 to vector<2x1xi32>
    %sign3A_569 = arith.cmpi slt, %broadcast_in_dim3A_516, %sign3A_568 : vector<2x1xi32>
    %sign3A_570 = arith.extui %sign3A_569 : vector<2x1xi1> to vector<2x1xi32>
    %sign3A_571 = arith.subi %sign3A_566, %sign3A_570 : vector<2x1xi32>
    %sign3A_572 = arith.constant 0 : i32
    %sign3A_573 = arith.cmpi sgt, %jit3A_560, %sign3A_572 : i32
    %sign3A_574 = arith.extui %sign3A_573 : i1 to i32
    %sign3A_575 = arith.constant 0 : i32
    %sign3A_576 = arith.cmpi slt, %jit3A_560, %sign3A_575 : i32
    %sign3A_577 = arith.extui %sign3A_576 : i1 to i32
    %sign3A_578 = arith.subi %sign3A_574, %sign3A_577 : i32
    %ne3A_579 = vector.broadcast %sign3A_578 : i32 to vector<2x1xi32>
    %ne3A_580 = arith.cmpi ne, %sign3A_571, %ne3A_579 : vector<2x1xi32>
    %rem3A_581 = vector.broadcast %jit3A_560 : i32 to vector<2x1xi32>
    %rem3A_582 = arith.remsi %broadcast_in_dim3A_516, %rem3A_581 : vector<2x1xi32>
    %ne3A_583 = arith.constant 0 : i32
    %ne3A_584 = vector.broadcast %ne3A_583 : i32 to vector<2x1xi32>
    %ne3A_585 = arith.cmpi ne, %rem3A_582, %ne3A_584 : vector<2x1xi32>
    %and3A_586 = arith.andi %ne3A_580, %ne3A_585 : vector<2x1xi1>
    %sub3A_587 = arith.constant 1 : i32
    %sub3A_588 = vector.broadcast %sub3A_587 : i32 to vector<2x1xi32>
    %sub3A_589 = arith.subi %div3A_562, %sub3A_588 : vector<2x1xi32>
    %select_n3A_590 = arith.select %and3A_586, %sub3A_589, %div3A_562 : vector<2x1xi1>, vector<2x1xi32>
    %jit3A_591 = arith.constant 7 : i32
    %eq3A_592 = arith.constant 0 : i32
    %eq3A_593 = arith.cmpi eq, %jit3A_591, %eq3A_592 : i32
    %jit3A_594 = arith.constant 1 : i32
    %select_n3A_595 = arith.select %eq3A_593, %jit3A_594, %jit3A_591 : i32
    %rem3A_596 = vector.broadcast %select_n3A_595 : i32 to vector<2x1xi32>
    %rem3A_597 = arith.remsi %select_n3A_590, %rem3A_596 : vector<2x1xi32>
    %ne3A_598 = arith.constant 0 : i32
    %ne3A_599 = vector.broadcast %ne3A_598 : i32 to vector<2x1xi32>
    %ne3A_600 = arith.cmpi ne, %rem3A_597, %ne3A_599 : vector<2x1xi32>
    %lt3A_601 = arith.constant 0 : i32
    %lt3A_602 = vector.broadcast %lt3A_601 : i32 to vector<2x1xi32>
    %lt3A_603 = arith.cmpi slt, %rem3A_597, %lt3A_602 : vector<2x1xi32>
    %lt3A_604 = arith.constant 0 : i32
    %lt3A_605 = arith.cmpi slt, %select_n3A_595, %lt3A_604 : i32
    %ne3A_606 = vector.broadcast %lt3A_605 : i1 to vector<2x1xi1>
    %ne3A_607 = vector.broadcast %ne3A_606 : vector<2x1xi1> to vector<2x1xi1>
    %ne3A_608 = arith.xori %lt3A_603, %ne3A_607 : vector<2x1xi1>
    %and3A_609 = arith.andi %ne3A_608, %ne3A_600 : vector<2x1xi1>
    %add3A_610 = vector.broadcast %select_n3A_595 : i32 to vector<2x1xi32>
    %add3A_611 = arith.addi %rem3A_597, %add3A_610 : vector<2x1xi32>
    %select_n3A_612 = arith.select %and3A_609, %add3A_611, %rem3A_597 : vector<2x1xi1>, vector<2x1xi32>
    %jit3A_613 = arith.constant 7 : i32
    %eq3A_614 = arith.constant 0 : i32
    %eq3A_615 = arith.cmpi eq, %jit3A_613, %eq3A_614 : i32
    %jit3A_616 = arith.constant 1 : i32
    %select_n3A_617 = arith.select %eq3A_615, %jit3A_616, %jit3A_613 : i32
    %rem3A_618 = vector.broadcast %select_n3A_617 : i32 to vector<2x1xi32>
    %rem3A_619 = arith.remsi %broadcast_in_dim3A_516, %rem3A_618 : vector<2x1xi32>
    %ne3A_620 = arith.constant 0 : i32
    %ne3A_621 = vector.broadcast %ne3A_620 : i32 to vector<2x1xi32>
    %ne3A_622 = arith.cmpi ne, %rem3A_619, %ne3A_621 : vector<2x1xi32>
    %lt3A_623 = arith.constant 0 : i32
    %lt3A_624 = vector.broadcast %lt3A_623 : i32 to vector<2x1xi32>
    %lt3A_625 = arith.cmpi slt, %rem3A_619, %lt3A_624 : vector<2x1xi32>
    %lt3A_626 = arith.constant 0 : i32
    %lt3A_627 = arith.cmpi slt, %select_n3A_617, %lt3A_626 : i32
    %ne3A_628 = vector.broadcast %lt3A_627 : i1 to vector<2x1xi1>
    %ne3A_629 = vector.broadcast %ne3A_628 : vector<2x1xi1> to vector<2x1xi1>
    %ne3A_630 = arith.xori %lt3A_625, %ne3A_629 : vector<2x1xi1>
    %and3A_631 = arith.andi %ne3A_630, %ne3A_622 : vector<2x1xi1>
    %add3A_632 = vector.broadcast %select_n3A_617 : i32 to vector<2x1xi32>
    %add3A_633 = arith.addi %rem3A_619, %add3A_632 : vector<2x1xi32>
    %select_n3A_634 = arith.select %and3A_631, %add3A_633, %rem3A_619 : vector<2x1xi1>, vector<2x1xi32>
    %iota3A_635 = tpu.iota {dimensions = array<i32: 0>} : vector<2x1xi32>
    %mul3A_636 = arith.constant 131072 : i32
    %mul3A_637 = vector.broadcast %mul3A_636 : i32 to vector<2x1xi32>
    %mul3A_638 = arith.muli %iota3A_635, %mul3A_637 : vector<2x1xi32>
    %mul3A_639 = arith.constant 16384 : i32
    %mul3A_640 = vector.broadcast %mul3A_639 : i32 to vector<2x1xi32>
    %mul3A_641 = arith.muli %select_n3A_559, %mul3A_640 : vector<2x1xi32>
    %add3A_642 = arith.addi %mul3A_638, %mul3A_641 : vector<2x1xi32>
    %mul3A_643 = arith.constant 128 : i32
    %mul3A_644 = vector.broadcast %mul3A_643 : i32 to vector<2x1xi32>
    %mul3A_645 = arith.muli %select_n3A_612, %mul3A_644 : vector<2x1xi32>
    %add3A_646 = arith.addi %add3A_642, %mul3A_645 : vector<2x1xi32>
    %add3A_647 = arith.addi %add3A_646, %select_n3A_634 : vector<2x1xi32>
    %add3A_648 = vector.broadcast %add3A_647 : vector<2x1xi32> to vector<2x2048xi32>
    %add3A_649 = arith.addi %add3A_648, %add3A_106 : vector<2x2048xi32>
    %swap3A_650 = arith.constant 4 : index
    %swap3A_651 = arith.constant 0 : index
    %swap3A_652 = vector.load %arg4[%swap3A_650, %swap3A_651] : memref<16x2048xi32, #tpu.memory_space<vmem>>, vector<2x2048xi32>
    tpu.vector_store %arg4[%swap3A_650, %swap3A_651], %add3A_649 {strides = array<i32>} : memref<16x2048xi32, #tpu.memory_space<vmem>>, vector<2x2048xi32>,
    %reduce_max3A_653 = arith.constant dense<0xFF800000> : vector<2xf32>
    %reduce_max3A_654 = vector.multi_reduction <maximumf>, %select_n3A_502, %reduce_max3A_653 [1] : vector<2x343xf32> to vector<2xf32>
    %broadcast_in_dim3A_655 = vector.shape_cast %reduce_max3A_654 : vector<2xf32> to vector<2x1xf32>
    %eq3A_656 = vector.broadcast %broadcast_in_dim3A_655 : vector<2x1xf32> to vector<2x343xf32>
    %eq3A_657 = arith.cmpf oeq, %select_n3A_502, %eq3A_656 : vector<2x343xf32>
    %jit3A_658 = arith.constant 343 : i32
    %broadcast_in_dim3A_659 = vector.broadcast %jit3A_658 : i32 to vector<2x343xi32>
    %select_n3A_660 = arith.select %eq3A_657, %iota3A, %broadcast_in_dim3A_659 : vector<2x343xi1>, vector<2x343xi32>
    %reduce_min3A_661 = arith.constant dense<2147483647> : vector<2xi32>
    %reduce_min3A_662 = vector.multi_reduction <minsi>, %select_n3A_660, %reduce_min3A_661 [1] : vector<2x343xi32> to vector<2xi32>
    %broadcast_in_dim3A_663 = vector.shape_cast %reduce_min3A_662 : vector<2xi32> to vector<2x1xi32>
    %eq3A_664 = vector.broadcast %broadcast_in_dim3A_663 : vector<2x1xi32> to vector<2x343xi32>
    %eq3A_665 = arith.cmpi eq, %iota3A, %eq3A_664 : vector<2x343xi32>
    %jit3A_666 = arith.constant 0xFF800000 : f32
    %broadcast_in_dim3A_667 = vector.broadcast %jit3A_666 : f32 to vector<2x343xf32>
    %select_n3A_668 = arith.select %eq3A_665, %broadcast_in_dim3A_667, %select_n3A_480 : vector<2x343xi1>, vector<2x343xf32>
    %gt3A_669 = arith.constant 3 : i32
    %gt3A_670 = arith.cmpi sgt, %get3A_0, %gt3A_669 : i32
    %select_n3A_671 = arith.select %gt3A_670, %select_n3A_668, %select_n3A_480 : vector<2x343xf32>
    %div3A_672 = arith.constant 0.666666686 : f32
    %div3A_673 = vector.broadcast %div3A_672 : f32 to vector<2x343xf32>
    %div3A_674 = arith.divf %select_n3A_671, %div3A_673 : vector<2x343xf32>
    %reduce_max3A_675 = arith.constant dense<0xFF800000> : vector<2xf32>
    %reduce_max3A_676 = vector.multi_reduction <maximumf>, %div3A_674, %reduce_max3A_675 [1] : vector<2x343xf32> to vector<2xf32>
    %max3A_677 = arith.constant 0xFF800000 : f32
    %max3A_678 = vector.broadcast %max3A_677 : f32 to vector<2xf32>
    %max3A_679 = arith.maximumf %max3A_678, %reduce_max3A_676 : vector<2xf32>
    %broadcast_in_dim3A_680 = vector.shape_cast %max3A_679 : vector<2xf32> to vector<2x1xf32>
    %sub3A_681 = vector.broadcast %broadcast_in_dim3A_680 : vector<2x1xf32> to vector<2x343xf32>
    %sub3A_682 = arith.subf %div3A_674, %sub3A_681 : vector<2x343xf32>
    %exp3A_683 = math.exp %sub3A_682 : vector<2x343xf32>
    %reduce_sum3A_684 = arith.constant dense<0.000000e+00> : vector<2xf32>
    %reduce_sum3A_685 = vector.multi_reduction <add>, %exp3A_683, %reduce_sum3A_684 [1] : vector<2x343xf32> to vector<2xf32>
    %broadcast_in_dim3A_686 = vector.shape_cast %reduce_sum3A_685 : vector<2xf32> to vector<2x1xf32>
    %div3A_687 = vector.broadcast %broadcast_in_dim3A_686 : vector<2x1xf32> to vector<2x343xf32>
    %div3A_688 = arith.divf %exp3A_683, %div3A_687 : vector<2x343xf32>
    %gt3A_689 = arith.constant 3 : i32
    %gt3A_690 = arith.cmpi sgt, %get3A_0, %gt3A_689 : i32
    %broadcast_in_dim3A_691 = arith.constant 0.000000e+00 : f32
    %broadcast_in_dim3A_692 = vector.broadcast %broadcast_in_dim3A_691 : f32 to vector<2x343xf32>
    %select_n3A_693 = arith.select %gt3A_690, %div3A_688, %broadcast_in_dim3A_692 : vector<2x343xf32>
    %swap3A_694 = arith.constant 6 : index
    %swap3A_695 = arith.constant 0 : index
    %swap3A_696 = vector.load %arg2[%swap3A_694, %swap3A_695] : memref<16x343xf32, #tpu.memory_space<vmem>>, vector<2x343xf32>
    tpu.vector_store %arg2[%swap3A_694, %swap3A_695], %select_n3A_693 {strides = array<i32>} : memref<16x343xf32, #tpu.memory_space<vmem>>, vector<2x343xf32>,
    %reduce_max3A_697 = arith.constant dense<0xFF800000> : vector<2xf32>
    %reduce_max3A_698 = vector.multi_reduction <maximumf>, %select_n3A_693, %reduce_max3A_697 [1] : vector<2x343xf32> to vector<2xf32>
    %broadcast_in_dim3A_699 = vector.shape_cast %reduce_max3A_698 : vector<2xf32> to vector<2x1xf32>
    %eq3A_700 = vector.broadcast %broadcast_in_dim3A_699 : vector<2x1xf32> to vector<2x343xf32>
    %eq3A_701 = arith.cmpf oeq, %select_n3A_693, %eq3A_700 : vector<2x343xf32>
    %jit3A_702 = arith.constant 343 : i32
    %broadcast_in_dim3A_703 = vector.broadcast %jit3A_702 : i32 to vector<2x343xi32>
    %select_n3A_704 = arith.select %eq3A_701, %iota3A, %broadcast_in_dim3A_703 : vector<2x343xi1>, vector<2x343xi32>
    %reduce_min3A_705 = arith.constant dense<2147483647> : vector<2xi32>
    %reduce_min3A_706 = vector.multi_reduction <minsi>, %select_n3A_704, %reduce_min3A_705 [1] : vector<2x343xi32> to vector<2xi32>
    %broadcast_in_dim3A_707 = vector.shape_cast %reduce_min3A_706 : vector<2xi32> to vector<2x1xi32>
    %eq3A_708 = vector.broadcast %broadcast_in_dim3A_707 : vector<2x1xi32> to vector<2x343xi32>
    %eq3A_709 = arith.cmpi eq, %iota3A, %eq3A_708 : vector<2x343xi32>
    %jit3A_710 = arith.constant 1.000000e+00 : f32
    %jit3A_711 = arith.constant 0.000000e+00 : f32
    %broadcast_in_dim3A_712 = vector.broadcast %jit3A_710 : f32 to vector<2x343xf32>
    %broadcast_in_dim3A_713 = vector.broadcast %jit3A_711 : f32 to vector<2x343xf32>
    %select_n3A_714 = arith.select %eq3A_709, %broadcast_in_dim3A_712, %broadcast_in_dim3A_713 : vector<2x343xi1>, vector<2x343xf32>
    %sub3A_715 = arith.subf %select_n3A_714, %select_n3A_693 : vector<2x343xf32>
    %add3A_716 = arith.addf %sub3A_715, %select_n3A_693 : vector<2x343xf32>
    %swap3A_717 = arith.constant 6 : index
    %swap3A_718 = arith.constant 0 : index
    %swap3A_719 = vector.load %arg3[%swap3A_717, %swap3A_718] : memref<16x343xf32, #tpu.memory_space<vmem>>, vector<2x343xf32>
    tpu.vector_store %arg3[%swap3A_717, %swap3A_718], %add3A_716 {strides = array<i32>} : memref<16x343xf32, #tpu.memory_space<vmem>>, vector<2x343xf32>,
    %jit3A_720 = arith.constant 49 : i32
    %div3A_721 = vector.broadcast %jit3A_720 : i32 to vector<2x1xi32>
    %div3A_722 = arith.divsi %broadcast_in_dim3A_707, %div3A_721 : vector<2x1xi32>
    %sign3A_723 = arith.constant 0 : i32
    %sign3A_724 = vector.broadcast %sign3A_723 : i32 to vector<2x1xi32>
    %sign3A_725 = arith.cmpi sgt, %broadcast_in_dim3A_707, %sign3A_724 : vector<2x1xi32>
    %sign3A_726 = arith.extui %sign3A_725 : vector<2x1xi1> to vector<2x1xi32>
    %sign3A_727 = arith.constant 0 : i32
    %sign3A_728 = vector.broadcast %sign3A_727 : i32 to vector<2x1xi32>
    %sign3A_729 = arith.cmpi slt, %broadcast_in_dim3A_707, %sign3A_728 : vector<2x1xi32>
    %sign3A_730 = arith.extui %sign3A_729 : vector<2x1xi1> to vector<2x1xi32>
    %sign3A_731 = arith.subi %sign3A_726, %sign3A_730 : vector<2x1xi32>
    %sign3A_732 = arith.constant 0 : i32
    %sign3A_733 = arith.cmpi sgt, %jit3A_720, %sign3A_732 : i32
    %sign3A_734 = arith.extui %sign3A_733 : i1 to i32
    %sign3A_735 = arith.constant 0 : i32
    %sign3A_736 = arith.cmpi slt, %jit3A_720, %sign3A_735 : i32
    %sign3A_737 = arith.extui %sign3A_736 : i1 to i32
    %sign3A_738 = arith.subi %sign3A_734, %sign3A_737 : i32
    %ne3A_739 = vector.broadcast %sign3A_738 : i32 to vector<2x1xi32>
    %ne3A_740 = arith.cmpi ne, %sign3A_731, %ne3A_739 : vector<2x1xi32>
    %rem3A_741 = vector.broadcast %jit3A_720 : i32 to vector<2x1xi32>
    %rem3A_742 = arith.remsi %broadcast_in_dim3A_707, %rem3A_741 : vector<2x1xi32>
    %ne3A_743 = arith.constant 0 : i32
    %ne3A_744 = vector.broadcast %ne3A_743 : i32 to vector<2x1xi32>
    %ne3A_745 = arith.cmpi ne, %rem3A_742, %ne3A_744 : vector<2x1xi32>
    %and3A_746 = arith.andi %ne3A_740, %ne3A_745 : vector<2x1xi1>
    %sub3A_747 = arith.constant 1 : i32
    %sub3A_748 = vector.broadcast %sub3A_747 : i32 to vector<2x1xi32>
    %sub3A_749 = arith.subi %div3A_722, %sub3A_748 : vector<2x1xi32>
    %select_n3A_750 = arith.select %and3A_746, %sub3A_749, %div3A_722 : vector<2x1xi1>, vector<2x1xi32>
    %jit3A_751 = arith.constant 7 : i32
    %div3A_752 = vector.broadcast %jit3A_751 : i32 to vector<2x1xi32>
    %div3A_753 = arith.divsi %broadcast_in_dim3A_707, %div3A_752 : vector<2x1xi32>
    %sign3A_754 = arith.constant 0 : i32
    %sign3A_755 = vector.broadcast %sign3A_754 : i32 to vector<2x1xi32>
    %sign3A_756 = arith.cmpi sgt, %broadcast_in_dim3A_707, %sign3A_755 : vector<2x1xi32>
    %sign3A_757 = arith.extui %sign3A_756 : vector<2x1xi1> to vector<2x1xi32>
    %sign3A_758 = arith.constant 0 : i32
    %sign3A_759 = vector.broadcast %sign3A_758 : i32 to vector<2x1xi32>
    %sign3A_760 = arith.cmpi slt, %broadcast_in_dim3A_707, %sign3A_759 : vector<2x1xi32>
    %sign3A_761 = arith.extui %sign3A_760 : vector<2x1xi1> to vector<2x1xi32>
    %sign3A_762 = arith.subi %sign3A_757, %sign3A_761 : vector<2x1xi32>
    %sign3A_763 = arith.constant 0 : i32
    %sign3A_764 = arith.cmpi sgt, %jit3A_751, %sign3A_763 : i32
    %sign3A_765 = arith.extui %sign3A_764 : i1 to i32
    %sign3A_766 = arith.constant 0 : i32
    %sign3A_767 = arith.cmpi slt, %jit3A_751, %sign3A_766 : i32
    %sign3A_768 = arith.extui %sign3A_767 : i1 to i32
    %sign3A_769 = arith.subi %sign3A_765, %sign3A_768 : i32
    %ne3A_770 = vector.broadcast %sign3A_769 : i32 to vector<2x1xi32>
    %ne3A_771 = arith.cmpi ne, %sign3A_762, %ne3A_770 : vector<2x1xi32>
    %rem3A_772 = vector.broadcast %jit3A_751 : i32 to vector<2x1xi32>
    %rem3A_773 = arith.remsi %broadcast_in_dim3A_707, %rem3A_772 : vector<2x1xi32>
    %ne3A_774 = arith.constant 0 : i32
    %ne3A_775 = vector.broadcast %ne3A_774 : i32 to vector<2x1xi32>
    %ne3A_776 = arith.cmpi ne, %rem3A_773, %ne3A_775 : vector<2x1xi32>
    %and3A_777 = arith.andi %ne3A_771, %ne3A_776 : vector<2x1xi1>
    %sub3A_778 = arith.constant 1 : i32
    %sub3A_779 = vector.broadcast %sub3A_778 : i32 to vector<2x1xi32>
    %sub3A_780 = arith.subi %div3A_753, %sub3A_779 : vector<2x1xi32>
    %select_n3A_781 = arith.select %and3A_777, %sub3A_780, %div3A_753 : vector<2x1xi1>, vector<2x1xi32>
    %jit3A_782 = arith.constant 7 : i32
    %eq3A_783 = arith.constant 0 : i32
    %eq3A_784 = arith.cmpi eq, %jit3A_782, %eq3A_783 : i32
    %jit3A_785 = arith.constant 1 : i32
    %select_n3A_786 = arith.select %eq3A_784, %jit3A_785, %jit3A_782 : i32
    %rem3A_787 = vector.broadcast %select_n3A_786 : i32 to vector<2x1xi32>
    %rem3A_788 = arith.remsi %select_n3A_781, %rem3A_787 : vector<2x1xi32>
    %ne3A_789 = arith.constant 0 : i32
    %ne3A_790 = vector.broadcast %ne3A_789 : i32 to vector<2x1xi32>
    %ne3A_791 = arith.cmpi ne, %rem3A_788, %ne3A_790 : vector<2x1xi32>
    %lt3A_792 = arith.constant 0 : i32
    %lt3A_793 = vector.broadcast %lt3A_792 : i32 to vector<2x1xi32>
    %lt3A_794 = arith.cmpi slt, %rem3A_788, %lt3A_793 : vector<2x1xi32>
    %lt3A_795 = arith.constant 0 : i32
    %lt3A_796 = arith.cmpi slt, %select_n3A_786, %lt3A_795 : i32
    %ne3A_797 = vector.broadcast %lt3A_796 : i1 to vector<2x1xi1>
    %ne3A_798 = vector.broadcast %ne3A_797 : vector<2x1xi1> to vector<2x1xi1>
    %ne3A_799 = arith.xori %lt3A_794, %ne3A_798 : vector<2x1xi1>
    %and3A_800 = arith.andi %ne3A_799, %ne3A_791 : vector<2x1xi1>
    %add3A_801 = vector.broadcast %select_n3A_786 : i32 to vector<2x1xi32>
    %add3A_802 = arith.addi %rem3A_788, %add3A_801 : vector<2x1xi32>
    %select_n3A_803 = arith.select %and3A_800, %add3A_802, %rem3A_788 : vector<2x1xi1>, vector<2x1xi32>
    %jit3A_804 = arith.constant 7 : i32
    %eq3A_805 = arith.constant 0 : i32
    %eq3A_806 = arith.cmpi eq, %jit3A_804, %eq3A_805 : i32
    %jit3A_807 = arith.constant 1 : i32
    %select_n3A_808 = arith.select %eq3A_806, %jit3A_807, %jit3A_804 : i32
    %rem3A_809 = vector.broadcast %select_n3A_808 : i32 to vector<2x1xi32>
    %rem3A_810 = arith.remsi %broadcast_in_dim3A_707, %rem3A_809 : vector<2x1xi32>
    %ne3A_811 = arith.constant 0 : i32
    %ne3A_812 = vector.broadcast %ne3A_811 : i32 to vector<2x1xi32>
    %ne3A_813 = arith.cmpi ne, %rem3A_810, %ne3A_812 : vector<2x1xi32>
    %lt3A_814 = arith.constant 0 : i32
    %lt3A_815 = vector.broadcast %lt3A_814 : i32 to vector<2x1xi32>
    %lt3A_816 = arith.cmpi slt, %rem3A_810, %lt3A_815 : vector<2x1xi32>
    %lt3A_817 = arith.constant 0 : i32
    %lt3A_818 = arith.cmpi slt, %select_n3A_808, %lt3A_817 : i32
    %ne3A_819 = vector.broadcast %lt3A_818 : i1 to vector<2x1xi1>
    %ne3A_820 = vector.broadcast %ne3A_819 : vector<2x1xi1> to vector<2x1xi1>
    %ne3A_821 = arith.xori %lt3A_816, %ne3A_820 : vector<2x1xi1>
    %and3A_822 = arith.andi %ne3A_821, %ne3A_813 : vector<2x1xi1>
    %add3A_823 = vector.broadcast %select_n3A_808 : i32 to vector<2x1xi32>
    %add3A_824 = arith.addi %rem3A_810, %add3A_823 : vector<2x1xi32>
    %select_n3A_825 = arith.select %and3A_822, %add3A_824, %rem3A_810 : vector<2x1xi1>, vector<2x1xi32>
    %iota3A_826 = tpu.iota {dimensions = array<i32: 0>} : vector<2x1xi32>
    %mul3A_827 = arith.constant 131072 : i32
    %mul3A_828 = vector.broadcast %mul3A_827 : i32 to vector<2x1xi32>
    %mul3A_829 = arith.muli %iota3A_826, %mul3A_828 : vector<2x1xi32>
    %mul3A_830 = arith.constant 16384 : i32
    %mul3A_831 = vector.broadcast %mul3A_830 : i32 to vector<2x1xi32>
    %mul3A_832 = arith.muli %select_n3A_750, %mul3A_831 : vector<2x1xi32>
    %add3A_833 = arith.addi %mul3A_829, %mul3A_832 : vector<2x1xi32>
    %mul3A_834 = arith.constant 128 : i32
    %mul3A_835 = vector.broadcast %mul3A_834 : i32 to vector<2x1xi32>
    %mul3A_836 = arith.muli %select_n3A_803, %mul3A_835 : vector<2x1xi32>
    %add3A_837 = arith.addi %add3A_833, %mul3A_836 : vector<2x1xi32>
    %add3A_838 = arith.addi %add3A_837, %select_n3A_825 : vector<2x1xi32>
    %add3A_839 = vector.broadcast %add3A_838 : vector<2x1xi32> to vector<2x2048xi32>
    %add3A_840 = arith.addi %add3A_839, %add3A_106 : vector<2x2048xi32>
    %swap3A_841 = arith.constant 6 : index
    %swap3A_842 = arith.constant 0 : index
    %swap3A_843 = vector.load %arg4[%swap3A_841, %swap3A_842] : memref<16x2048xi32, #tpu.memory_space<vmem>>, vector<2x2048xi32>
    tpu.vector_store %arg4[%swap3A_841, %swap3A_842], %add3A_840 {strides = array<i32>} : memref<16x2048xi32, #tpu.memory_space<vmem>>, vector<2x2048xi32>,
    %reduce_max3A_844 = arith.constant dense<0xFF800000> : vector<2xf32>
    %reduce_max3A_845 = vector.multi_reduction <maximumf>, %select_n3A_693, %reduce_max3A_844 [1] : vector<2x343xf32> to vector<2xf32>
    %broadcast_in_dim3A_846 = vector.shape_cast %reduce_max3A_845 : vector<2xf32> to vector<2x1xf32>
    %eq3A_847 = vector.broadcast %broadcast_in_dim3A_846 : vector<2x1xf32> to vector<2x343xf32>
    %eq3A_848 = arith.cmpf oeq, %select_n3A_693, %eq3A_847 : vector<2x343xf32>
    %jit3A_849 = arith.constant 343 : i32
    %broadcast_in_dim3A_850 = vector.broadcast %jit3A_849 : i32 to vector<2x343xi32>
    %select_n3A_851 = arith.select %eq3A_848, %iota3A, %broadcast_in_dim3A_850 : vector<2x343xi1>, vector<2x343xi32>
    %reduce_min3A_852 = arith.constant dense<2147483647> : vector<2xi32>
    %reduce_min3A_853 = vector.multi_reduction <minsi>, %select_n3A_851, %reduce_min3A_852 [1] : vector<2x343xi32> to vector<2xi32>
    %broadcast_in_dim3A_854 = vector.shape_cast %reduce_min3A_853 : vector<2xi32> to vector<2x1xi32>
    %eq3A_855 = vector.broadcast %broadcast_in_dim3A_854 : vector<2x1xi32> to vector<2x343xi32>
    %eq3A_856 = arith.cmpi eq, %iota3A, %eq3A_855 : vector<2x343xi32>
    %jit3A_857 = arith.constant 0xFF800000 : f32
    %broadcast_in_dim3A_858 = vector.broadcast %jit3A_857 : f32 to vector<2x343xf32>
    %select_n3A_859 = arith.select %eq3A_856, %broadcast_in_dim3A_858, %select_n3A_671 : vector<2x343xi1>, vector<2x343xf32>
    %gt3A_860 = arith.constant 4 : i32
    %gt3A_861 = arith.cmpi sgt, %get3A_0, %gt3A_860 : i32
    %select_n3A_862 = arith.select %gt3A_861, %select_n3A_859, %select_n3A_671 : vector<2x343xf32>
    %div3A_863 = arith.constant 0.666666686 : f32
    %div3A_864 = vector.broadcast %div3A_863 : f32 to vector<2x343xf32>
    %div3A_865 = arith.divf %select_n3A_862, %div3A_864 : vector<2x343xf32>
    %reduce_max3A_866 = arith.constant dense<0xFF800000> : vector<2xf32>
    %reduce_max3A_867 = vector.multi_reduction <maximumf>, %div3A_865, %reduce_max3A_866 [1] : vector<2x343xf32> to vector<2xf32>
    %max3A_868 = arith.constant 0xFF800000 : f32
    %max3A_869 = vector.broadcast %max3A_868 : f32 to vector<2xf32>
    %max3A_870 = arith.maximumf %max3A_869, %reduce_max3A_867 : vector<2xf32>
    %broadcast_in_dim3A_871 = vector.shape_cast %max3A_870 : vector<2xf32> to vector<2x1xf32>
    %sub3A_872 = vector.broadcast %broadcast_in_dim3A_871 : vector<2x1xf32> to vector<2x343xf32>
    %sub3A_873 = arith.subf %div3A_865, %sub3A_872 : vector<2x343xf32>
    %exp3A_874 = math.exp %sub3A_873 : vector<2x343xf32>
    %reduce_sum3A_875 = arith.constant dense<0.000000e+00> : vector<2xf32>
    %reduce_sum3A_876 = vector.multi_reduction <add>, %exp3A_874, %reduce_sum3A_875 [1] : vector<2x343xf32> to vector<2xf32>
    %broadcast_in_dim3A_877 = vector.shape_cast %reduce_sum3A_876 : vector<2xf32> to vector<2x1xf32>
    %div3A_878 = vector.broadcast %broadcast_in_dim3A_877 : vector<2x1xf32> to vector<2x343xf32>
    %div3A_879 = arith.divf %exp3A_874, %div3A_878 : vector<2x343xf32>
    %gt3A_880 = arith.constant 4 : i32
    %gt3A_881 = arith.cmpi sgt, %get3A_0, %gt3A_880 : i32
    %broadcast_in_dim3A_882 = arith.constant 0.000000e+00 : f32
    %broadcast_in_dim3A_883 = vector.broadcast %broadcast_in_dim3A_882 : f32 to vector<2x343xf32>
    %select_n3A_884 = arith.select %gt3A_881, %div3A_879, %broadcast_in_dim3A_883 : vector<2x343xf32>
    %swap3A_885 = arith.constant 8 : index
    %swap3A_886 = arith.constant 0 : index
    %swap3A_887 = vector.load %arg2[%swap3A_885, %swap3A_886] : memref<16x343xf32, #tpu.memory_space<vmem>>, vector<2x343xf32>
    tpu.vector_store %arg2[%swap3A_885, %swap3A_886], %select_n3A_884 {strides = array<i32>} : memref<16x343xf32, #tpu.memory_space<vmem>>, vector<2x343xf32>,
    %reduce_max3A_888 = arith.constant dense<0xFF800000> : vector<2xf32>
    %reduce_max3A_889 = vector.multi_reduction <maximumf>, %select_n3A_884, %reduce_max3A_888 [1] : vector<2x343xf32> to vector<2xf32>
    %broadcast_in_dim3A_890 = vector.shape_cast %reduce_max3A_889 : vector<2xf32> to vector<2x1xf32>
    %eq3A_891 = vector.broadcast %broadcast_in_dim3A_890 : vector<2x1xf32> to vector<2x343xf32>
    %eq3A_892 = arith.cmpf oeq, %select_n3A_884, %eq3A_891 : vector<2x343xf32>
    %jit3A_893 = arith.constant 343 : i32
    %broadcast_in_dim3A_894 = vector.broadcast %jit3A_893 : i32 to vector<2x343xi32>
    %select_n3A_895 = arith.select %eq3A_892, %iota3A, %broadcast_in_dim3A_894 : vector<2x343xi1>, vector<2x343xi32>
    %reduce_min3A_896 = arith.constant dense<2147483647> : vector<2xi32>
    %reduce_min3A_897 = vector.multi_reduction <minsi>, %select_n3A_895, %reduce_min3A_896 [1] : vector<2x343xi32> to vector<2xi32>
    %broadcast_in_dim3A_898 = vector.shape_cast %reduce_min3A_897 : vector<2xi32> to vector<2x1xi32>
    %eq3A_899 = vector.broadcast %broadcast_in_dim3A_898 : vector<2x1xi32> to vector<2x343xi32>
    %eq3A_900 = arith.cmpi eq, %iota3A, %eq3A_899 : vector<2x343xi32>
    %jit3A_901 = arith.constant 1.000000e+00 : f32
    %jit3A_902 = arith.constant 0.000000e+00 : f32
    %broadcast_in_dim3A_903 = vector.broadcast %jit3A_901 : f32 to vector<2x343xf32>
    %broadcast_in_dim3A_904 = vector.broadcast %jit3A_902 : f32 to vector<2x343xf32>
    %select_n3A_905 = arith.select %eq3A_900, %broadcast_in_dim3A_903, %broadcast_in_dim3A_904 : vector<2x343xi1>, vector<2x343xf32>
    %sub3A_906 = arith.subf %select_n3A_905, %select_n3A_884 : vector<2x343xf32>
    %add3A_907 = arith.addf %sub3A_906, %select_n3A_884 : vector<2x343xf32>
    %swap3A_908 = arith.constant 8 : index
    %swap3A_909 = arith.constant 0 : index
    %swap3A_910 = vector.load %arg3[%swap3A_908, %swap3A_909] : memref<16x343xf32, #tpu.memory_space<vmem>>, vector<2x343xf32>
    tpu.vector_store %arg3[%swap3A_908, %swap3A_909], %add3A_907 {strides = array<i32>} : memref<16x343xf32, #tpu.memory_space<vmem>>, vector<2x343xf32>,
    %jit3A_911 = arith.constant 49 : i32
    %div3A_912 = vector.broadcast %jit3A_911 : i32 to vector<2x1xi32>
    %div3A_913 = arith.divsi %broadcast_in_dim3A_898, %div3A_912 : vector<2x1xi32>
    %sign3A_914 = arith.constant 0 : i32
    %sign3A_915 = vector.broadcast %sign3A_914 : i32 to vector<2x1xi32>
    %sign3A_916 = arith.cmpi sgt, %broadcast_in_dim3A_898, %sign3A_915 : vector<2x1xi32>
    %sign3A_917 = arith.extui %sign3A_916 : vector<2x1xi1> to vector<2x1xi32>
    %sign3A_918 = arith.constant 0 : i32
    %sign3A_919 = vector.broadcast %sign3A_918 : i32 to vector<2x1xi32>
    %sign3A_920 = arith.cmpi slt, %broadcast_in_dim3A_898, %sign3A_919 : vector<2x1xi32>
    %sign3A_921 = arith.extui %sign3A_920 : vector<2x1xi1> to vector<2x1xi32>
    %sign3A_922 = arith.subi %sign3A_917, %sign3A_921 : vector<2x1xi32>
    %sign3A_923 = arith.constant 0 : i32
    %sign3A_924 = arith.cmpi sgt, %jit3A_911, %sign3A_923 : i32
    %sign3A_925 = arith.extui %sign3A_924 : i1 to i32
    %sign3A_926 = arith.constant 0 : i32
    %sign3A_927 = arith.cmpi slt, %jit3A_911, %sign3A_926 : i32
    %sign3A_928 = arith.extui %sign3A_927 : i1 to i32
    %sign3A_929 = arith.subi %sign3A_925, %sign3A_928 : i32
    %ne3A_930 = vector.broadcast %sign3A_929 : i32 to vector<2x1xi32>
    %ne3A_931 = arith.cmpi ne, %sign3A_922, %ne3A_930 : vector<2x1xi32>
    %rem3A_932 = vector.broadcast %jit3A_911 : i32 to vector<2x1xi32>
    %rem3A_933 = arith.remsi %broadcast_in_dim3A_898, %rem3A_932 : vector<2x1xi32>
    %ne3A_934 = arith.constant 0 : i32
    %ne3A_935 = vector.broadcast %ne3A_934 : i32 to vector<2x1xi32>
    %ne3A_936 = arith.cmpi ne, %rem3A_933, %ne3A_935 : vector<2x1xi32>
    %and3A_937 = arith.andi %ne3A_931, %ne3A_936 : vector<2x1xi1>
    %sub3A_938 = arith.constant 1 : i32
    %sub3A_939 = vector.broadcast %sub3A_938 : i32 to vector<2x1xi32>
    %sub3A_940 = arith.subi %div3A_913, %sub3A_939 : vector<2x1xi32>
    %select_n3A_941 = arith.select %and3A_937, %sub3A_940, %div3A_913 : vector<2x1xi1>, vector<2x1xi32>
    %jit3A_942 = arith.constant 7 : i32
    %div3A_943 = vector.broadcast %jit3A_942 : i32 to vector<2x1xi32>
    %div3A_944 = arith.divsi %broadcast_in_dim3A_898, %div3A_943 : vector<2x1xi32>
    %sign3A_945 = arith.constant 0 : i32
    %sign3A_946 = vector.broadcast %sign3A_945 : i32 to vector<2x1xi32>
    %sign3A_947 = arith.cmpi sgt, %broadcast_in_dim3A_898, %sign3A_946 : vector<2x1xi32>
    %sign3A_948 = arith.extui %sign3A_947 : vector<2x1xi1> to vector<2x1xi32>
    %sign3A_949 = arith.constant 0 : i32
    %sign3A_950 = vector.broadcast %sign3A_949 : i32 to vector<2x1xi32>
    %sign3A_951 = arith.cmpi slt, %broadcast_in_dim3A_898, %sign3A_950 : vector<2x1xi32>
    %sign3A_952 = arith.extui %sign3A_951 : vector<2x1xi1> to vector<2x1xi32>
    %sign3A_953 = arith.subi %sign3A_948, %sign3A_952 : vector<2x1xi32>
    %sign3A_954 = arith.constant 0 : i32
    %sign3A_955 = arith.cmpi sgt, %jit3A_942, %sign3A_954 : i32
    %sign3A_956 = arith.extui %sign3A_955 : i1 to i32
    %sign3A_957 = arith.constant 0 : i32
    %sign3A_958 = arith.cmpi slt, %jit3A_942, %sign3A_957 : i32
    %sign3A_959 = arith.extui %sign3A_958 : i1 to i32
    %sign3A_960 = arith.subi %sign3A_956, %sign3A_959 : i32
    %ne3A_961 = vector.broadcast %sign3A_960 : i32 to vector<2x1xi32>
    %ne3A_962 = arith.cmpi ne, %sign3A_953, %ne3A_961 : vector<2x1xi32>
    %rem3A_963 = vector.broadcast %jit3A_942 : i32 to vector<2x1xi32>
    %rem3A_964 = arith.remsi %broadcast_in_dim3A_898, %rem3A_963 : vector<2x1xi32>
    %ne3A_965 = arith.constant 0 : i32
    %ne3A_966 = vector.broadcast %ne3A_965 : i32 to vector<2x1xi32>
    %ne3A_967 = arith.cmpi ne, %rem3A_964, %ne3A_966 : vector<2x1xi32>
    %and3A_968 = arith.andi %ne3A_962, %ne3A_967 : vector<2x1xi1>
    %sub3A_969 = arith.constant 1 : i32
    %sub3A_970 = vector.broadcast %sub3A_969 : i32 to vector<2x1xi32>
    %sub3A_971 = arith.subi %div3A_944, %sub3A_970 : vector<2x1xi32>
    %select_n3A_972 = arith.select %and3A_968, %sub3A_971, %div3A_944 : vector<2x1xi1>, vector<2x1xi32>
    %jit3A_973 = arith.constant 7 : i32
    %eq3A_974 = arith.constant 0 : i32
    %eq3A_975 = arith.cmpi eq, %jit3A_973, %eq3A_974 : i32
    %jit3A_976 = arith.constant 1 : i32
    %select_n3A_977 = arith.select %eq3A_975, %jit3A_976, %jit3A_973 : i32
    %rem3A_978 = vector.broadcast %select_n3A_977 : i32 to vector<2x1xi32>
    %rem3A_979 = arith.remsi %select_n3A_972, %rem3A_978 : vector<2x1xi32>
    %ne3A_980 = arith.constant 0 : i32
    %ne3A_981 = vector.broadcast %ne3A_980 : i32 to vector<2x1xi32>
    %ne3A_982 = arith.cmpi ne, %rem3A_979, %ne3A_981 : vector<2x1xi32>
    %lt3A_983 = arith.constant 0 : i32
    %lt3A_984 = vector.broadcast %lt3A_983 : i32 to vector<2x1xi32>
    %lt3A_985 = arith.cmpi slt, %rem3A_979, %lt3A_984 : vector<2x1xi32>
    %lt3A_986 = arith.constant 0 : i32
    %lt3A_987 = arith.cmpi slt, %select_n3A_977, %lt3A_986 : i32
    %ne3A_988 = vector.broadcast %lt3A_987 : i1 to vector<2x1xi1>
    %ne3A_989 = vector.broadcast %ne3A_988 : vector<2x1xi1> to vector<2x1xi1>
    %ne3A_990 = arith.xori %lt3A_985, %ne3A_989 : vector<2x1xi1>
    %and3A_991 = arith.andi %ne3A_990, %ne3A_982 : vector<2x1xi1>
    %add3A_992 = vector.broadcast %select_n3A_977 : i32 to vector<2x1xi32>
    %add3A_993 = arith.addi %rem3A_979, %add3A_992 : vector<2x1xi32>
    %select_n3A_994 = arith.select %and3A_991, %add3A_993, %rem3A_979 : vector<2x1xi1>, vector<2x1xi32>
    %jit3A_995 = arith.constant 7 : i32
    %eq3A_996 = arith.constant 0 : i32
    %eq3A_997 = arith.cmpi eq, %jit3A_995, %eq3A_996 : i32
    %jit3A_998 = arith.constant 1 : i32
    %select_n3A_999 = arith.select %eq3A_997, %jit3A_998, %jit3A_995 : i32
    %rem3A_1000 = vector.broadcast %select_n3A_999 : i32 to vector<2x1xi32>
    %rem3A_1001 = arith.remsi %broadcast_in_dim3A_898, %rem3A_1000 : vector<2x1xi32>
    %ne3A_1002 = arith.constant 0 : i32
    %ne3A_1003 = vector.broadcast %ne3A_1002 : i32 to vector<2x1xi32>
    %ne3A_1004 = arith.cmpi ne, %rem3A_1001, %ne3A_1003 : vector<2x1xi32>
    %lt3A_1005 = arith.constant 0 : i32
    %lt3A_1006 = vector.broadcast %lt3A_1005 : i32 to vector<2x1xi32>
    %lt3A_1007 = arith.cmpi slt, %rem3A_1001, %lt3A_1006 : vector<2x1xi32>
    %lt3A_1008 = arith.constant 0 : i32
    %lt3A_1009 = arith.cmpi slt, %select_n3A_999, %lt3A_1008 : i32
    %ne3A_1010 = vector.broadcast %lt3A_1009 : i1 to vector<2x1xi1>
    %ne3A_1011 = vector.broadcast %ne3A_1010 : vector<2x1xi1> to vector<2x1xi1>
    %ne3A_1012 = arith.xori %lt3A_1007, %ne3A_1011 : vector<2x1xi1>
    %and3A_1013 = arith.andi %ne3A_1012, %ne3A_1004 : vector<2x1xi1>
    %add3A_1014 = vector.broadcast %select_n3A_999 : i32 to vector<2x1xi32>
    %add3A_1015 = arith.addi %rem3A_1001, %add3A_1014 : vector<2x1xi32>
    %select_n3A_1016 = arith.select %and3A_1013, %add3A_1015, %rem3A_1001 : vector<2x1xi1>, vector<2x1xi32>
    %iota3A_1017 = tpu.iota {dimensions = array<i32: 0>} : vector<2x1xi32>
    %mul3A_1018 = arith.constant 131072 : i32
    %mul3A_1019 = vector.broadcast %mul3A_1018 : i32 to vector<2x1xi32>
    %mul3A_1020 = arith.muli %iota3A_1017, %mul3A_1019 : vector<2x1xi32>
    %mul3A_1021 = arith.constant 16384 : i32
    %mul3A_1022 = vector.broadcast %mul3A_1021 : i32 to vector<2x1xi32>
    %mul3A_1023 = arith.muli %select_n3A_941, %mul3A_1022 : vector<2x1xi32>
    %add3A_1024 = arith.addi %mul3A_1020, %mul3A_1023 : vector<2x1xi32>
    %mul3A_1025 = arith.constant 128 : i32
    %mul3A_1026 = vector.broadcast %mul3A_1025 : i32 to vector<2x1xi32>
    %mul3A_1027 = arith.muli %select_n3A_994, %mul3A_1026 : vector<2x1xi32>
    %add3A_1028 = arith.addi %add3A_1024, %mul3A_1027 : vector<2x1xi32>
    %add3A_1029 = arith.addi %add3A_1028, %select_n3A_1016 : vector<2x1xi32>
    %add3A_1030 = vector.broadcast %add3A_1029 : vector<2x1xi32> to vector<2x2048xi32>
    %add3A_1031 = arith.addi %add3A_1030, %add3A_106 : vector<2x2048xi32>
    %swap3A_1032 = arith.constant 8 : index
    %swap3A_1033 = arith.constant 0 : index
    %swap3A_1034 = vector.load %arg4[%swap3A_1032, %swap3A_1033] : memref<16x2048xi32, #tpu.memory_space<vmem>>, vector<2x2048xi32>
    tpu.vector_store %arg4[%swap3A_1032, %swap3A_1033], %add3A_1031 {strides = array<i32>} : memref<16x2048xi32, #tpu.memory_space<vmem>>, vector<2x2048xi32>,
    %reduce_max3A_1035 = arith.constant dense<0xFF800000> : vector<2xf32>
    %reduce_max3A_1036 = vector.multi_reduction <maximumf>, %select_n3A_884, %reduce_max3A_1035 [1] : vector<2x343xf32> to vector<2xf32>
    %broadcast_in_dim3A_1037 = vector.shape_cast %reduce_max3A_1036 : vector<2xf32> to vector<2x1xf32>
    %eq3A_1038 = vector.broadcast %broadcast_in_dim3A_1037 : vector<2x1xf32> to vector<2x343xf32>
    %eq3A_1039 = arith.cmpf oeq, %select_n3A_884, %eq3A_1038 : vector<2x343xf32>
    %jit3A_1040 = arith.constant 343 : i32
    %broadcast_in_dim3A_1041 = vector.broadcast %jit3A_1040 : i32 to vector<2x343xi32>
    %select_n3A_1042 = arith.select %eq3A_1039, %iota3A, %broadcast_in_dim3A_1041 : vector<2x343xi1>, vector<2x343xi32>
    %reduce_min3A_1043 = arith.constant dense<2147483647> : vector<2xi32>
    %reduce_min3A_1044 = vector.multi_reduction <minsi>, %select_n3A_1042, %reduce_min3A_1043 [1] : vector<2x343xi32> to vector<2xi32>
    %broadcast_in_dim3A_1045 = vector.shape_cast %reduce_min3A_1044 : vector<2xi32> to vector<2x1xi32>
    %eq3A_1046 = vector.broadcast %broadcast_in_dim3A_1045 : vector<2x1xi32> to vector<2x343xi32>
    %eq3A_1047 = arith.cmpi eq, %iota3A, %eq3A_1046 : vector<2x343xi32>
    %jit3A_1048 = arith.constant 0xFF800000 : f32
    %broadcast_in_dim3A_1049 = vector.broadcast %jit3A_1048 : f32 to vector<2x343xf32>
    %select_n3A_1050 = arith.select %eq3A_1047, %broadcast_in_dim3A_1049, %select_n3A_862 : vector<2x343xi1>, vector<2x343xf32>
    %gt3A_1051 = arith.constant 5 : i32
    %gt3A_1052 = arith.cmpi sgt, %get3A_0, %gt3A_1051 : i32
    %select_n3A_1053 = arith.select %gt3A_1052, %select_n3A_1050, %select_n3A_862 : vector<2x343xf32>
    %div3A_1054 = arith.constant 0.666666686 : f32
    %div3A_1055 = vector.broadcast %div3A_1054 : f32 to vector<2x343xf32>
    %div3A_1056 = arith.divf %select_n3A_1053, %div3A_1055 : vector<2x343xf32>
    %reduce_max3A_1057 = arith.constant dense<0xFF800000> : vector<2xf32>
    %reduce_max3A_1058 = vector.multi_reduction <maximumf>, %div3A_1056, %reduce_max3A_1057 [1] : vector<2x343xf32> to vector<2xf32>
    %max3A_1059 = arith.constant 0xFF800000 : f32
    %max3A_1060 = vector.broadcast %max3A_1059 : f32 to vector<2xf32>
    %max3A_1061 = arith.maximumf %max3A_1060, %reduce_max3A_1058 : vector<2xf32>
    %broadcast_in_dim3A_1062 = vector.shape_cast %max3A_1061 : vector<2xf32> to vector<2x1xf32>
    %sub3A_1063 = vector.broadcast %broadcast_in_dim3A_1062 : vector<2x1xf32> to vector<2x343xf32>
    %sub3A_1064 = arith.subf %div3A_1056, %sub3A_1063 : vector<2x343xf32>
    %exp3A_1065 = math.exp %sub3A_1064 : vector<2x343xf32>
    %reduce_sum3A_1066 = arith.constant dense<0.000000e+00> : vector<2xf32>
    %reduce_sum3A_1067 = vector.multi_reduction <add>, %exp3A_1065, %reduce_sum3A_1066 [1] : vector<2x343xf32> to vector<2xf32>
    %broadcast_in_dim3A_1068 = vector.shape_cast %reduce_sum3A_1067 : vector<2xf32> to vector<2x1xf32>
    %div3A_1069 = vector.broadcast %broadcast_in_dim3A_1068 : vector<2x1xf32> to vector<2x343xf32>
    %div3A_1070 = arith.divf %exp3A_1065, %div3A_1069 : vector<2x343xf32>
    %gt3A_1071 = arith.constant 5 : i32
    %gt3A_1072 = arith.cmpi sgt, %get3A_0, %gt3A_1071 : i32
    %broadcast_in_dim3A_1073 = arith.constant 0.000000e+00 : f32
    %broadcast_in_dim3A_1074 = vector.broadcast %broadcast_in_dim3A_1073 : f32 to vector<2x343xf32>
    %select_n3A_1075 = arith.select %gt3A_1072, %div3A_1070, %broadcast_in_dim3A_1074 : vector<2x343xf32>
    %swap3A_1076 = arith.constant 10 : index
    %swap3A_1077 = arith.constant 0 : index
    %swap3A_1078 = vector.load %arg2[%swap3A_1076, %swap3A_1077] : memref<16x343xf32, #tpu.memory_space<vmem>>, vector<2x343xf32>
    tpu.vector_store %arg2[%swap3A_1076, %swap3A_1077], %select_n3A_1075 {strides = array<i32>} : memref<16x343xf32, #tpu.memory_space<vmem>>, vector<2x343xf32>,
    %reduce_max3A_1079 = arith.constant dense<0xFF800000> : vector<2xf32>
    %reduce_max3A_1080 = vector.multi_reduction <maximumf>, %select_n3A_1075, %reduce_max3A_1079 [1] : vector<2x343xf32> to vector<2xf32>
    %broadcast_in_dim3A_1081 = vector.shape_cast %reduce_max3A_1080 : vector<2xf32> to vector<2x1xf32>
    %eq3A_1082 = vector.broadcast %broadcast_in_dim3A_1081 : vector<2x1xf32> to vector<2x343xf32>
    %eq3A_1083 = arith.cmpf oeq, %select_n3A_1075, %eq3A_1082 : vector<2x343xf32>
    %jit3A_1084 = arith.constant 343 : i32
    %broadcast_in_dim3A_1085 = vector.broadcast %jit3A_1084 : i32 to vector<2x343xi32>
    %select_n3A_1086 = arith.select %eq3A_1083, %iota3A, %broadcast_in_dim3A_1085 : vector<2x343xi1>, vector<2x343xi32>
    %reduce_min3A_1087 = arith.constant dense<2147483647> : vector<2xi32>
    %reduce_min3A_1088 = vector.multi_reduction <minsi>, %select_n3A_1086, %reduce_min3A_1087 [1] : vector<2x343xi32> to vector<2xi32>
    %broadcast_in_dim3A_1089 = vector.shape_cast %reduce_min3A_1088 : vector<2xi32> to vector<2x1xi32>
    %eq3A_1090 = vector.broadcast %broadcast_in_dim3A_1089 : vector<2x1xi32> to vector<2x343xi32>
    %eq3A_1091 = arith.cmpi eq, %iota3A, %eq3A_1090 : vector<2x343xi32>
    %jit3A_1092 = arith.constant 1.000000e+00 : f32
    %jit3A_1093 = arith.constant 0.000000e+00 : f32
    %broadcast_in_dim3A_1094 = vector.broadcast %jit3A_1092 : f32 to vector<2x343xf32>
    %broadcast_in_dim3A_1095 = vector.broadcast %jit3A_1093 : f32 to vector<2x343xf32>
    %select_n3A_1096 = arith.select %eq3A_1091, %broadcast_in_dim3A_1094, %broadcast_in_dim3A_1095 : vector<2x343xi1>, vector<2x343xf32>
    %sub3A_1097 = arith.subf %select_n3A_1096, %select_n3A_1075 : vector<2x343xf32>
    %add3A_1098 = arith.addf %sub3A_1097, %select_n3A_1075 : vector<2x343xf32>
    %swap3A_1099 = arith.constant 10 : index
    %swap3A_1100 = arith.constant 0 : index
    %swap3A_1101 = vector.load %arg3[%swap3A_1099, %swap3A_1100] : memref<16x343xf32, #tpu.memory_space<vmem>>, vector<2x343xf32>
    tpu.vector_store %arg3[%swap3A_1099, %swap3A_1100], %add3A_1098 {strides = array<i32>} : memref<16x343xf32, #tpu.memory_space<vmem>>, vector<2x343xf32>,
    %jit3A_1102 = arith.constant 49 : i32
    %div3A_1103 = vector.broadcast %jit3A_1102 : i32 to vector<2x1xi32>
    %div3A_1104 = arith.divsi %broadcast_in_dim3A_1089, %div3A_1103 : vector<2x1xi32>
    %sign3A_1105 = arith.constant 0 : i32
    %sign3A_1106 = vector.broadcast %sign3A_1105 : i32 to vector<2x1xi32>
    %sign3A_1107 = arith.cmpi sgt, %broadcast_in_dim3A_1089, %sign3A_1106 : vector<2x1xi32>
    %sign3A_1108 = arith.extui %sign3A_1107 : vector<2x1xi1> to vector<2x1xi32>
    %sign3A_1109 = arith.constant 0 : i32
    %sign3A_1110 = vector.broadcast %sign3A_1109 : i32 to vector<2x1xi32>
    %sign3A_1111 = arith.cmpi slt, %broadcast_in_dim3A_1089, %sign3A_1110 : vector<2x1xi32>
    %sign3A_1112 = arith.extui %sign3A_1111 : vector<2x1xi1> to vector<2x1xi32>
    %sign3A_1113 = arith.subi %sign3A_1108, %sign3A_1112 : vector<2x1xi32>
    %sign3A_1114 = arith.constant 0 : i32
    %sign3A_1115 = arith.cmpi sgt, %jit3A_1102, %sign3A_1114 : i32
    %sign3A_1116 = arith.extui %sign3A_1115 : i1 to i32
    %sign3A_1117 = arith.constant 0 : i32
    %sign3A_1118 = arith.cmpi slt, %jit3A_1102, %sign3A_1117 : i32
    %sign3A_1119 = arith.extui %sign3A_1118 : i1 to i32
    %sign3A_1120 = arith.subi %sign3A_1116, %sign3A_1119 : i32
    %ne3A_1121 = vector.broadcast %sign3A_1120 : i32 to vector<2x1xi32>
    %ne3A_1122 = arith.cmpi ne, %sign3A_1113, %ne3A_1121 : vector<2x1xi32>
    %rem3A_1123 = vector.broadcast %jit3A_1102 : i32 to vector<2x1xi32>
    %rem3A_1124 = arith.remsi %broadcast_in_dim3A_1089, %rem3A_1123 : vector<2x1xi32>
    %ne3A_1125 = arith.constant 0 : i32
    %ne3A_1126 = vector.broadcast %ne3A_1125 : i32 to vector<2x1xi32>
    %ne3A_1127 = arith.cmpi ne, %rem3A_1124, %ne3A_1126 : vector<2x1xi32>
    %and3A_1128 = arith.andi %ne3A_1122, %ne3A_1127 : vector<2x1xi1>
    %sub3A_1129 = arith.constant 1 : i32
    %sub3A_1130 = vector.broadcast %sub3A_1129 : i32 to vector<2x1xi32>
    %sub3A_1131 = arith.subi %div3A_1104, %sub3A_1130 : vector<2x1xi32>
    %select_n3A_1132 = arith.select %and3A_1128, %sub3A_1131, %div3A_1104 : vector<2x1xi1>, vector<2x1xi32>
    %jit3A_1133 = arith.constant 7 : i32
    %div3A_1134 = vector.broadcast %jit3A_1133 : i32 to vector<2x1xi32>
    %div3A_1135 = arith.divsi %broadcast_in_dim3A_1089, %div3A_1134 : vector<2x1xi32>
    %sign3A_1136 = arith.constant 0 : i32
    %sign3A_1137 = vector.broadcast %sign3A_1136 : i32 to vector<2x1xi32>
    %sign3A_1138 = arith.cmpi sgt, %broadcast_in_dim3A_1089, %sign3A_1137 : vector<2x1xi32>
    %sign3A_1139 = arith.extui %sign3A_1138 : vector<2x1xi1> to vector<2x1xi32>
    %sign3A_1140 = arith.constant 0 : i32
    %sign3A_1141 = vector.broadcast %sign3A_1140 : i32 to vector<2x1xi32>
    %sign3A_1142 = arith.cmpi slt, %broadcast_in_dim3A_1089, %sign3A_1141 : vector<2x1xi32>
    %sign3A_1143 = arith.extui %sign3A_1142 : vector<2x1xi1> to vector<2x1xi32>
    %sign3A_1144 = arith.subi %sign3A_1139, %sign3A_1143 : vector<2x1xi32>
    %sign3A_1145 = arith.constant 0 : i32
    %sign3A_1146 = arith.cmpi sgt, %jit3A_1133, %sign3A_1145 : i32
    %sign3A_1147 = arith.extui %sign3A_1146 : i1 to i32
    %sign3A_1148 = arith.constant 0 : i32
    %sign3A_1149 = arith.cmpi slt, %jit3A_1133, %sign3A_1148 : i32
    %sign3A_1150 = arith.extui %sign3A_1149 : i1 to i32
    %sign3A_1151 = arith.subi %sign3A_1147, %sign3A_1150 : i32
    %ne3A_1152 = vector.broadcast %sign3A_1151 : i32 to vector<2x1xi32>
    %ne3A_1153 = arith.cmpi ne, %sign3A_1144, %ne3A_1152 : vector<2x1xi32>
    %rem3A_1154 = vector.broadcast %jit3A_1133 : i32 to vector<2x1xi32>
    %rem3A_1155 = arith.remsi %broadcast_in_dim3A_1089, %rem3A_1154 : vector<2x1xi32>
    %ne3A_1156 = arith.constant 0 : i32
    %ne3A_1157 = vector.broadcast %ne3A_1156 : i32 to vector<2x1xi32>
    %ne3A_1158 = arith.cmpi ne, %rem3A_1155, %ne3A_1157 : vector<2x1xi32>
    %and3A_1159 = arith.andi %ne3A_1153, %ne3A_1158 : vector<2x1xi1>
    %sub3A_1160 = arith.constant 1 : i32
    %sub3A_1161 = vector.broadcast %sub3A_1160 : i32 to vector<2x1xi32>
    %sub3A_1162 = arith.subi %div3A_1135, %sub3A_1161 : vector<2x1xi32>
    %select_n3A_1163 = arith.select %and3A_1159, %sub3A_1162, %div3A_1135 : vector<2x1xi1>, vector<2x1xi32>
    %jit3A_1164 = arith.constant 7 : i32
    %eq3A_1165 = arith.constant 0 : i32
    %eq3A_1166 = arith.cmpi eq, %jit3A_1164, %eq3A_1165 : i32
    %jit3A_1167 = arith.constant 1 : i32
    %select_n3A_1168 = arith.select %eq3A_1166, %jit3A_1167, %jit3A_1164 : i32
    %rem3A_1169 = vector.broadcast %select_n3A_1168 : i32 to vector<2x1xi32>
    %rem3A_1170 = arith.remsi %select_n3A_1163, %rem3A_1169 : vector<2x1xi32>
    %ne3A_1171 = arith.constant 0 : i32
    %ne3A_1172 = vector.broadcast %ne3A_1171 : i32 to vector<2x1xi32>
    %ne3A_1173 = arith.cmpi ne, %rem3A_1170, %ne3A_1172 : vector<2x1xi32>
    %lt3A_1174 = arith.constant 0 : i32
    %lt3A_1175 = vector.broadcast %lt3A_1174 : i32 to vector<2x1xi32>
    %lt3A_1176 = arith.cmpi slt, %rem3A_1170, %lt3A_1175 : vector<2x1xi32>
    %lt3A_1177 = arith.constant 0 : i32
    %lt3A_1178 = arith.cmpi slt, %select_n3A_1168, %lt3A_1177 : i32
    %ne3A_1179 = vector.broadcast %lt3A_1178 : i1 to vector<2x1xi1>
    %ne3A_1180 = vector.broadcast %ne3A_1179 : vector<2x1xi1> to vector<2x1xi1>
    %ne3A_1181 = arith.xori %lt3A_1176, %ne3A_1180 : vector<2x1xi1>
    %and3A_1182 = arith.andi %ne3A_1181, %ne3A_1173 : vector<2x1xi1>
    %add3A_1183 = vector.broadcast %select_n3A_1168 : i32 to vector<2x1xi32>
    %add3A_1184 = arith.addi %rem3A_1170, %add3A_1183 : vector<2x1xi32>
    %select_n3A_1185 = arith.select %and3A_1182, %add3A_1184, %rem3A_1170 : vector<2x1xi1>, vector<2x1xi32>
    %jit3A_1186 = arith.constant 7 : i32
    %eq3A_1187 = arith.constant 0 : i32
    %eq3A_1188 = arith.cmpi eq, %jit3A_1186, %eq3A_1187 : i32
    %jit3A_1189 = arith.constant 1 : i32
    %select_n3A_1190 = arith.select %eq3A_1188, %jit3A_1189, %jit3A_1186 : i32
    %rem3A_1191 = vector.broadcast %select_n3A_1190 : i32 to vector<2x1xi32>
    %rem3A_1192 = arith.remsi %broadcast_in_dim3A_1089, %rem3A_1191 : vector<2x1xi32>
    %ne3A_1193 = arith.constant 0 : i32
    %ne3A_1194 = vector.broadcast %ne3A_1193 : i32 to vector<2x1xi32>
    %ne3A_1195 = arith.cmpi ne, %rem3A_1192, %ne3A_1194 : vector<2x1xi32>
    %lt3A_1196 = arith.constant 0 : i32
    %lt3A_1197 = vector.broadcast %lt3A_1196 : i32 to vector<2x1xi32>
    %lt3A_1198 = arith.cmpi slt, %rem3A_1192, %lt3A_1197 : vector<2x1xi32>
    %lt3A_1199 = arith.constant 0 : i32
    %lt3A_1200 = arith.cmpi slt, %select_n3A_1190, %lt3A_1199 : i32
    %ne3A_1201 = vector.broadcast %lt3A_1200 : i1 to vector<2x1xi1>
    %ne3A_1202 = vector.broadcast %ne3A_1201 : vector<2x1xi1> to vector<2x1xi1>
    %ne3A_1203 = arith.xori %lt3A_1198, %ne3A_1202 : vector<2x1xi1>
    %and3A_1204 = arith.andi %ne3A_1203, %ne3A_1195 : vector<2x1xi1>
    %add3A_1205 = vector.broadcast %select_n3A_1190 : i32 to vector<2x1xi32>
    %add3A_1206 = arith.addi %rem3A_1192, %add3A_1205 : vector<2x1xi32>
    %select_n3A_1207 = arith.select %and3A_1204, %add3A_1206, %rem3A_1192 : vector<2x1xi1>, vector<2x1xi32>
    %iota3A_1208 = tpu.iota {dimensions = array<i32: 0>} : vector<2x1xi32>
    %mul3A_1209 = arith.constant 131072 : i32
    %mul3A_1210 = vector.broadcast %mul3A_1209 : i32 to vector<2x1xi32>
    %mul3A_1211 = arith.muli %iota3A_1208, %mul3A_1210 : vector<2x1xi32>
    %mul3A_1212 = arith.constant 16384 : i32
    %mul3A_1213 = vector.broadcast %mul3A_1212 : i32 to vector<2x1xi32>
    %mul3A_1214 = arith.muli %select_n3A_1132, %mul3A_1213 : vector<2x1xi32>
    %add3A_1215 = arith.addi %mul3A_1211, %mul3A_1214 : vector<2x1xi32>
    %mul3A_1216 = arith.constant 128 : i32
    %mul3A_1217 = vector.broadcast %mul3A_1216 : i32 to vector<2x1xi32>
    %mul3A_1218 = arith.muli %select_n3A_1185, %mul3A_1217 : vector<2x1xi32>
    %add3A_1219 = arith.addi %add3A_1215, %mul3A_1218 : vector<2x1xi32>
    %add3A_1220 = arith.addi %add3A_1219, %select_n3A_1207 : vector<2x1xi32>
    %add3A_1221 = vector.broadcast %add3A_1220 : vector<2x1xi32> to vector<2x2048xi32>
    %add3A_1222 = arith.addi %add3A_1221, %add3A_106 : vector<2x2048xi32>
    %swap3A_1223 = arith.constant 10 : index
    %swap3A_1224 = arith.constant 0 : index
    %swap3A_1225 = vector.load %arg4[%swap3A_1223, %swap3A_1224] : memref<16x2048xi32, #tpu.memory_space<vmem>>, vector<2x2048xi32>
    tpu.vector_store %arg4[%swap3A_1223, %swap3A_1224], %add3A_1222 {strides = array<i32>} : memref<16x2048xi32, #tpu.memory_space<vmem>>, vector<2x2048xi32>,
    %reduce_max3A_1226 = arith.constant dense<0xFF800000> : vector<2xf32>
    %reduce_max3A_1227 = vector.multi_reduction <maximumf>, %select_n3A_1075, %reduce_max3A_1226 [1] : vector<2x343xf32> to vector<2xf32>
    %broadcast_in_dim3A_1228 = vector.shape_cast %reduce_max3A_1227 : vector<2xf32> to vector<2x1xf32>
    %eq3A_1229 = vector.broadcast %broadcast_in_dim3A_1228 : vector<2x1xf32> to vector<2x343xf32>
    %eq3A_1230 = arith.cmpf oeq, %select_n3A_1075, %eq3A_1229 : vector<2x343xf32>
    %jit3A_1231 = arith.constant 343 : i32
    %broadcast_in_dim3A_1232 = vector.broadcast %jit3A_1231 : i32 to vector<2x343xi32>
    %select_n3A_1233 = arith.select %eq3A_1230, %iota3A, %broadcast_in_dim3A_1232 : vector<2x343xi1>, vector<2x343xi32>
    %reduce_min3A_1234 = arith.constant dense<2147483647> : vector<2xi32>
    %reduce_min3A_1235 = vector.multi_reduction <minsi>, %select_n3A_1233, %reduce_min3A_1234 [1] : vector<2x343xi32> to vector<2xi32>
    %broadcast_in_dim3A_1236 = vector.shape_cast %reduce_min3A_1235 : vector<2xi32> to vector<2x1xi32>
    %eq3A_1237 = vector.broadcast %broadcast_in_dim3A_1236 : vector<2x1xi32> to vector<2x343xi32>
    %eq3A_1238 = arith.cmpi eq, %iota3A, %eq3A_1237 : vector<2x343xi32>
    %jit3A_1239 = arith.constant 0xFF800000 : f32
    %broadcast_in_dim3A_1240 = vector.broadcast %jit3A_1239 : f32 to vector<2x343xf32>
    %select_n3A_1241 = arith.select %eq3A_1238, %broadcast_in_dim3A_1240, %select_n3A_1053 : vector<2x343xi1>, vector<2x343xf32>
    %gt3A_1242 = arith.constant 6 : i32
    %gt3A_1243 = arith.cmpi sgt, %get3A_0, %gt3A_1242 : i32
    %select_n3A_1244 = arith.select %gt3A_1243, %select_n3A_1241, %select_n3A_1053 : vector<2x343xf32>
    %div3A_1245 = arith.constant 0.666666686 : f32
    %div3A_1246 = vector.broadcast %div3A_1245 : f32 to vector<2x343xf32>
    %div3A_1247 = arith.divf %select_n3A_1244, %div3A_1246 : vector<2x343xf32>
    %reduce_max3A_1248 = arith.constant dense<0xFF800000> : vector<2xf32>
    %reduce_max3A_1249 = vector.multi_reduction <maximumf>, %div3A_1247, %reduce_max3A_1248 [1] : vector<2x343xf32> to vector<2xf32>
    %max3A_1250 = arith.constant 0xFF800000 : f32
    %max3A_1251 = vector.broadcast %max3A_1250 : f32 to vector<2xf32>
    %max3A_1252 = arith.maximumf %max3A_1251, %reduce_max3A_1249 : vector<2xf32>
    %broadcast_in_dim3A_1253 = vector.shape_cast %max3A_1252 : vector<2xf32> to vector<2x1xf32>
    %sub3A_1254 = vector.broadcast %broadcast_in_dim3A_1253 : vector<2x1xf32> to vector<2x343xf32>
    %sub3A_1255 = arith.subf %div3A_1247, %sub3A_1254 : vector<2x343xf32>
    %exp3A_1256 = math.exp %sub3A_1255 : vector<2x343xf32>
    %reduce_sum3A_1257 = arith.constant dense<0.000000e+00> : vector<2xf32>
    %reduce_sum3A_1258 = vector.multi_reduction <add>, %exp3A_1256, %reduce_sum3A_1257 [1] : vector<2x343xf32> to vector<2xf32>
    %broadcast_in_dim3A_1259 = vector.shape_cast %reduce_sum3A_1258 : vector<2xf32> to vector<2x1xf32>
    %div3A_1260 = vector.broadcast %broadcast_in_dim3A_1259 : vector<2x1xf32> to vector<2x343xf32>
    %div3A_1261 = arith.divf %exp3A_1256, %div3A_1260 : vector<2x343xf32>
    %gt3A_1262 = arith.constant 6 : i32
    %gt3A_1263 = arith.cmpi sgt, %get3A_0, %gt3A_1262 : i32
    %broadcast_in_dim3A_1264 = arith.constant 0.000000e+00 : f32
    %broadcast_in_dim3A_1265 = vector.broadcast %broadcast_in_dim3A_1264 : f32 to vector<2x343xf32>
    %select_n3A_1266 = arith.select %gt3A_1263, %div3A_1261, %broadcast_in_dim3A_1265 : vector<2x343xf32>
    %swap3A_1267 = arith.constant 12 : index
    %swap3A_1268 = arith.constant 0 : index
    %swap3A_1269 = vector.load %arg2[%swap3A_1267, %swap3A_1268] : memref<16x343xf32, #tpu.memory_space<vmem>>, vector<2x343xf32>
    tpu.vector_store %arg2[%swap3A_1267, %swap3A_1268], %select_n3A_1266 {strides = array<i32>} : memref<16x343xf32, #tpu.memory_space<vmem>>, vector<2x343xf32>,
    %reduce_max3A_1270 = arith.constant dense<0xFF800000> : vector<2xf32>
    %reduce_max3A_1271 = vector.multi_reduction <maximumf>, %select_n3A_1266, %reduce_max3A_1270 [1] : vector<2x343xf32> to vector<2xf32>
    %broadcast_in_dim3A_1272 = vector.shape_cast %reduce_max3A_1271 : vector<2xf32> to vector<2x1xf32>
    %eq3A_1273 = vector.broadcast %broadcast_in_dim3A_1272 : vector<2x1xf32> to vector<2x343xf32>
    %eq3A_1274 = arith.cmpf oeq, %select_n3A_1266, %eq3A_1273 : vector<2x343xf32>
    %jit3A_1275 = arith.constant 343 : i32
    %broadcast_in_dim3A_1276 = vector.broadcast %jit3A_1275 : i32 to vector<2x343xi32>
    %select_n3A_1277 = arith.select %eq3A_1274, %iota3A, %broadcast_in_dim3A_1276 : vector<2x343xi1>, vector<2x343xi32>
    %reduce_min3A_1278 = arith.constant dense<2147483647> : vector<2xi32>
    %reduce_min3A_1279 = vector.multi_reduction <minsi>, %select_n3A_1277, %reduce_min3A_1278 [1] : vector<2x343xi32> to vector<2xi32>
    %broadcast_in_dim3A_1280 = vector.shape_cast %reduce_min3A_1279 : vector<2xi32> to vector<2x1xi32>
    %eq3A_1281 = vector.broadcast %broadcast_in_dim3A_1280 : vector<2x1xi32> to vector<2x343xi32>
    %eq3A_1282 = arith.cmpi eq, %iota3A, %eq3A_1281 : vector<2x343xi32>
    %jit3A_1283 = arith.constant 1.000000e+00 : f32
    %jit3A_1284 = arith.constant 0.000000e+00 : f32
    %broadcast_in_dim3A_1285 = vector.broadcast %jit3A_1283 : f32 to vector<2x343xf32>
    %broadcast_in_dim3A_1286 = vector.broadcast %jit3A_1284 : f32 to vector<2x343xf32>
    %select_n3A_1287 = arith.select %eq3A_1282, %broadcast_in_dim3A_1285, %broadcast_in_dim3A_1286 : vector<2x343xi1>, vector<2x343xf32>
    %sub3A_1288 = arith.subf %select_n3A_1287, %select_n3A_1266 : vector<2x343xf32>
    %add3A_1289 = arith.addf %sub3A_1288, %select_n3A_1266 : vector<2x343xf32>
    %swap3A_1290 = arith.constant 12 : index
    %swap3A_1291 = arith.constant 0 : index
    %swap3A_1292 = vector.load %arg3[%swap3A_1290, %swap3A_1291] : memref<16x343xf32, #tpu.memory_space<vmem>>, vector<2x343xf32>
    tpu.vector_store %arg3[%swap3A_1290, %swap3A_1291], %add3A_1289 {strides = array<i32>} : memref<16x343xf32, #tpu.memory_space<vmem>>, vector<2x343xf32>,
    %jit3A_1293 = arith.constant 49 : i32
    %div3A_1294 = vector.broadcast %jit3A_1293 : i32 to vector<2x1xi32>
    %div3A_1295 = arith.divsi %broadcast_in_dim3A_1280, %div3A_1294 : vector<2x1xi32>
    %sign3A_1296 = arith.constant 0 : i32
    %sign3A_1297 = vector.broadcast %sign3A_1296 : i32 to vector<2x1xi32>
    %sign3A_1298 = arith.cmpi sgt, %broadcast_in_dim3A_1280, %sign3A_1297 : vector<2x1xi32>
    %sign3A_1299 = arith.extui %sign3A_1298 : vector<2x1xi1> to vector<2x1xi32>
    %sign3A_1300 = arith.constant 0 : i32
    %sign3A_1301 = vector.broadcast %sign3A_1300 : i32 to vector<2x1xi32>
    %sign3A_1302 = arith.cmpi slt, %broadcast_in_dim3A_1280, %sign3A_1301 : vector<2x1xi32>
    %sign3A_1303 = arith.extui %sign3A_1302 : vector<2x1xi1> to vector<2x1xi32>
    %sign3A_1304 = arith.subi %sign3A_1299, %sign3A_1303 : vector<2x1xi32>
    %sign3A_1305 = arith.constant 0 : i32
    %sign3A_1306 = arith.cmpi sgt, %jit3A_1293, %sign3A_1305 : i32
    %sign3A_1307 = arith.extui %sign3A_1306 : i1 to i32
    %sign3A_1308 = arith.constant 0 : i32
    %sign3A_1309 = arith.cmpi slt, %jit3A_1293, %sign3A_1308 : i32
    %sign3A_1310 = arith.extui %sign3A_1309 : i1 to i32
    %sign3A_1311 = arith.subi %sign3A_1307, %sign3A_1310 : i32
    %ne3A_1312 = vector.broadcast %sign3A_1311 : i32 to vector<2x1xi32>
    %ne3A_1313 = arith.cmpi ne, %sign3A_1304, %ne3A_1312 : vector<2x1xi32>
    %rem3A_1314 = vector.broadcast %jit3A_1293 : i32 to vector<2x1xi32>
    %rem3A_1315 = arith.remsi %broadcast_in_dim3A_1280, %rem3A_1314 : vector<2x1xi32>
    %ne3A_1316 = arith.constant 0 : i32
    %ne3A_1317 = vector.broadcast %ne3A_1316 : i32 to vector<2x1xi32>
    %ne3A_1318 = arith.cmpi ne, %rem3A_1315, %ne3A_1317 : vector<2x1xi32>
    %and3A_1319 = arith.andi %ne3A_1313, %ne3A_1318 : vector<2x1xi1>
    %sub3A_1320 = arith.constant 1 : i32
    %sub3A_1321 = vector.broadcast %sub3A_1320 : i32 to vector<2x1xi32>
    %sub3A_1322 = arith.subi %div3A_1295, %sub3A_1321 : vector<2x1xi32>
    %select_n3A_1323 = arith.select %and3A_1319, %sub3A_1322, %div3A_1295 : vector<2x1xi1>, vector<2x1xi32>
    %jit3A_1324 = arith.constant 7 : i32
    %div3A_1325 = vector.broadcast %jit3A_1324 : i32 to vector<2x1xi32>
    %div3A_1326 = arith.divsi %broadcast_in_dim3A_1280, %div3A_1325 : vector<2x1xi32>
    %sign3A_1327 = arith.constant 0 : i32
    %sign3A_1328 = vector.broadcast %sign3A_1327 : i32 to vector<2x1xi32>
    %sign3A_1329 = arith.cmpi sgt, %broadcast_in_dim3A_1280, %sign3A_1328 : vector<2x1xi32>
    %sign3A_1330 = arith.extui %sign3A_1329 : vector<2x1xi1> to vector<2x1xi32>
    %sign3A_1331 = arith.constant 0 : i32
    %sign3A_1332 = vector.broadcast %sign3A_1331 : i32 to vector<2x1xi32>
    %sign3A_1333 = arith.cmpi slt, %broadcast_in_dim3A_1280, %sign3A_1332 : vector<2x1xi32>
    %sign3A_1334 = arith.extui %sign3A_1333 : vector<2x1xi1> to vector<2x1xi32>
    %sign3A_1335 = arith.subi %sign3A_1330, %sign3A_1334 : vector<2x1xi32>
    %sign3A_1336 = arith.constant 0 : i32
    %sign3A_1337 = arith.cmpi sgt, %jit3A_1324, %sign3A_1336 : i32
    %sign3A_1338 = arith.extui %sign3A_1337 : i1 to i32
    %sign3A_1339 = arith.constant 0 : i32
    %sign3A_1340 = arith.cmpi slt, %jit3A_1324, %sign3A_1339 : i32
    %sign3A_1341 = arith.extui %sign3A_1340 : i1 to i32
    %sign3A_1342 = arith.subi %sign3A_1338, %sign3A_1341 : i32
    %ne3A_1343 = vector.broadcast %sign3A_1342 : i32 to vector<2x1xi32>
    %ne3A_1344 = arith.cmpi ne, %sign3A_1335, %ne3A_1343 : vector<2x1xi32>
    %rem3A_1345 = vector.broadcast %jit3A_1324 : i32 to vector<2x1xi32>
    %rem3A_1346 = arith.remsi %broadcast_in_dim3A_1280, %rem3A_1345 : vector<2x1xi32>
    %ne3A_1347 = arith.constant 0 : i32
    %ne3A_1348 = vector.broadcast %ne3A_1347 : i32 to vector<2x1xi32>
    %ne3A_1349 = arith.cmpi ne, %rem3A_1346, %ne3A_1348 : vector<2x1xi32>
    %and3A_1350 = arith.andi %ne3A_1344, %ne3A_1349 : vector<2x1xi1>
    %sub3A_1351 = arith.constant 1 : i32
    %sub3A_1352 = vector.broadcast %sub3A_1351 : i32 to vector<2x1xi32>
    %sub3A_1353 = arith.subi %div3A_1326, %sub3A_1352 : vector<2x1xi32>
    %select_n3A_1354 = arith.select %and3A_1350, %sub3A_1353, %div3A_1326 : vector<2x1xi1>, vector<2x1xi32>
    %jit3A_1355 = arith.constant 7 : i32
    %eq3A_1356 = arith.constant 0 : i32
    %eq3A_1357 = arith.cmpi eq, %jit3A_1355, %eq3A_1356 : i32
    %jit3A_1358 = arith.constant 1 : i32
    %select_n3A_1359 = arith.select %eq3A_1357, %jit3A_1358, %jit3A_1355 : i32
    %rem3A_1360 = vector.broadcast %select_n3A_1359 : i32 to vector<2x1xi32>
    %rem3A_1361 = arith.remsi %select_n3A_1354, %rem3A_1360 : vector<2x1xi32>
    %ne3A_1362 = arith.constant 0 : i32
    %ne3A_1363 = vector.broadcast %ne3A_1362 : i32 to vector<2x1xi32>
    %ne3A_1364 = arith.cmpi ne, %rem3A_1361, %ne3A_1363 : vector<2x1xi32>
    %lt3A_1365 = arith.constant 0 : i32
    %lt3A_1366 = vector.broadcast %lt3A_1365 : i32 to vector<2x1xi32>
    %lt3A_1367 = arith.cmpi slt, %rem3A_1361, %lt3A_1366 : vector<2x1xi32>
    %lt3A_1368 = arith.constant 0 : i32
    %lt3A_1369 = arith.cmpi slt, %select_n3A_1359, %lt3A_1368 : i32
    %ne3A_1370 = vector.broadcast %lt3A_1369 : i1 to vector<2x1xi1>
    %ne3A_1371 = vector.broadcast %ne3A_1370 : vector<2x1xi1> to vector<2x1xi1>
    %ne3A_1372 = arith.xori %lt3A_1367, %ne3A_1371 : vector<2x1xi1>
    %and3A_1373 = arith.andi %ne3A_1372, %ne3A_1364 : vector<2x1xi1>
    %add3A_1374 = vector.broadcast %select_n3A_1359 : i32 to vector<2x1xi32>
    %add3A_1375 = arith.addi %rem3A_1361, %add3A_1374 : vector<2x1xi32>
    %select_n3A_1376 = arith.select %and3A_1373, %add3A_1375, %rem3A_1361 : vector<2x1xi1>, vector<2x1xi32>
    %jit3A_1377 = arith.constant 7 : i32
    %eq3A_1378 = arith.constant 0 : i32
    %eq3A_1379 = arith.cmpi eq, %jit3A_1377, %eq3A_1378 : i32
    %jit3A_1380 = arith.constant 1 : i32
    %select_n3A_1381 = arith.select %eq3A_1379, %jit3A_1380, %jit3A_1377 : i32
    %rem3A_1382 = vector.broadcast %select_n3A_1381 : i32 to vector<2x1xi32>
    %rem3A_1383 = arith.remsi %broadcast_in_dim3A_1280, %rem3A_1382 : vector<2x1xi32>
    %ne3A_1384 = arith.constant 0 : i32
    %ne3A_1385 = vector.broadcast %ne3A_1384 : i32 to vector<2x1xi32>
    %ne3A_1386 = arith.cmpi ne, %rem3A_1383, %ne3A_1385 : vector<2x1xi32>
    %lt3A_1387 = arith.constant 0 : i32
    %lt3A_1388 = vector.broadcast %lt3A_1387 : i32 to vector<2x1xi32>
    %lt3A_1389 = arith.cmpi slt, %rem3A_1383, %lt3A_1388 : vector<2x1xi32>
    %lt3A_1390 = arith.constant 0 : i32
    %lt3A_1391 = arith.cmpi slt, %select_n3A_1381, %lt3A_1390 : i32
    %ne3A_1392 = vector.broadcast %lt3A_1391 : i1 to vector<2x1xi1>
    %ne3A_1393 = vector.broadcast %ne3A_1392 : vector<2x1xi1> to vector<2x1xi1>
    %ne3A_1394 = arith.xori %lt3A_1389, %ne3A_1393 : vector<2x1xi1>
    %and3A_1395 = arith.andi %ne3A_1394, %ne3A_1386 : vector<2x1xi1>
    %add3A_1396 = vector.broadcast %select_n3A_1381 : i32 to vector<2x1xi32>
    %add3A_1397 = arith.addi %rem3A_1383, %add3A_1396 : vector<2x1xi32>
    %select_n3A_1398 = arith.select %and3A_1395, %add3A_1397, %rem3A_1383 : vector<2x1xi1>, vector<2x1xi32>
    %iota3A_1399 = tpu.iota {dimensions = array<i32: 0>} : vector<2x1xi32>
    %mul3A_1400 = arith.constant 131072 : i32
    %mul3A_1401 = vector.broadcast %mul3A_1400 : i32 to vector<2x1xi32>
    %mul3A_1402 = arith.muli %iota3A_1399, %mul3A_1401 : vector<2x1xi32>
    %mul3A_1403 = arith.constant 16384 : i32
    %mul3A_1404 = vector.broadcast %mul3A_1403 : i32 to vector<2x1xi32>
    %mul3A_1405 = arith.muli %select_n3A_1323, %mul3A_1404 : vector<2x1xi32>
    %add3A_1406 = arith.addi %mul3A_1402, %mul3A_1405 : vector<2x1xi32>
    %mul3A_1407 = arith.constant 128 : i32
    %mul3A_1408 = vector.broadcast %mul3A_1407 : i32 to vector<2x1xi32>
    %mul3A_1409 = arith.muli %select_n3A_1376, %mul3A_1408 : vector<2x1xi32>
    %add3A_1410 = arith.addi %add3A_1406, %mul3A_1409 : vector<2x1xi32>
    %add3A_1411 = arith.addi %add3A_1410, %select_n3A_1398 : vector<2x1xi32>
    %add3A_1412 = vector.broadcast %add3A_1411 : vector<2x1xi32> to vector<2x2048xi32>
    %add3A_1413 = arith.addi %add3A_1412, %add3A_106 : vector<2x2048xi32>
    %swap3A_1414 = arith.constant 12 : index
    %swap3A_1415 = arith.constant 0 : index
    %swap3A_1416 = vector.load %arg4[%swap3A_1414, %swap3A_1415] : memref<16x2048xi32, #tpu.memory_space<vmem>>, vector<2x2048xi32>
    tpu.vector_store %arg4[%swap3A_1414, %swap3A_1415], %add3A_1413 {strides = array<i32>} : memref<16x2048xi32, #tpu.memory_space<vmem>>, vector<2x2048xi32>,
    %reduce_max3A_1417 = arith.constant dense<0xFF800000> : vector<2xf32>
    %reduce_max3A_1418 = vector.multi_reduction <maximumf>, %select_n3A_1266, %reduce_max3A_1417 [1] : vector<2x343xf32> to vector<2xf32>
    %broadcast_in_dim3A_1419 = vector.shape_cast %reduce_max3A_1418 : vector<2xf32> to vector<2x1xf32>
    %eq3A_1420 = vector.broadcast %broadcast_in_dim3A_1419 : vector<2x1xf32> to vector<2x343xf32>
    %eq3A_1421 = arith.cmpf oeq, %select_n3A_1266, %eq3A_1420 : vector<2x343xf32>
    %jit3A_1422 = arith.constant 343 : i32
    %broadcast_in_dim3A_1423 = vector.broadcast %jit3A_1422 : i32 to vector<2x343xi32>
    %select_n3A_1424 = arith.select %eq3A_1421, %iota3A, %broadcast_in_dim3A_1423 : vector<2x343xi1>, vector<2x343xi32>
    %reduce_min3A_1425 = arith.constant dense<2147483647> : vector<2xi32>
    %reduce_min3A_1426 = vector.multi_reduction <minsi>, %select_n3A_1424, %reduce_min3A_1425 [1] : vector<2x343xi32> to vector<2xi32>
    %broadcast_in_dim3A_1427 = vector.shape_cast %reduce_min3A_1426 : vector<2xi32> to vector<2x1xi32>
    %eq3A_1428 = vector.broadcast %broadcast_in_dim3A_1427 : vector<2x1xi32> to vector<2x343xi32>
    %eq3A_1429 = arith.cmpi eq, %iota3A, %eq3A_1428 : vector<2x343xi32>
    %jit3A_1430 = arith.constant 0xFF800000 : f32
    %broadcast_in_dim3A_1431 = vector.broadcast %jit3A_1430 : f32 to vector<2x343xf32>
    %select_n3A_1432 = arith.select %eq3A_1429, %broadcast_in_dim3A_1431, %select_n3A_1244 : vector<2x343xi1>, vector<2x343xf32>
    %gt3A_1433 = arith.constant 7 : i32
    %gt3A_1434 = arith.cmpi sgt, %get3A_0, %gt3A_1433 : i32
    %select_n3A_1435 = arith.select %gt3A_1434, %select_n3A_1432, %select_n3A_1244 : vector<2x343xf32>
    %div3A_1436 = arith.constant 0.666666686 : f32
    %div3A_1437 = vector.broadcast %div3A_1436 : f32 to vector<2x343xf32>
    %div3A_1438 = arith.divf %select_n3A_1435, %div3A_1437 : vector<2x343xf32>
    %reduce_max3A_1439 = arith.constant dense<0xFF800000> : vector<2xf32>
    %reduce_max3A_1440 = vector.multi_reduction <maximumf>, %div3A_1438, %reduce_max3A_1439 [1] : vector<2x343xf32> to vector<2xf32>
    %max3A_1441 = arith.constant 0xFF800000 : f32
    %max3A_1442 = vector.broadcast %max3A_1441 : f32 to vector<2xf32>
    %max3A_1443 = arith.maximumf %max3A_1442, %reduce_max3A_1440 : vector<2xf32>
    %broadcast_in_dim3A_1444 = vector.shape_cast %max3A_1443 : vector<2xf32> to vector<2x1xf32>
    %sub3A_1445 = vector.broadcast %broadcast_in_dim3A_1444 : vector<2x1xf32> to vector<2x343xf32>
    %sub3A_1446 = arith.subf %div3A_1438, %sub3A_1445 : vector<2x343xf32>
    %exp3A_1447 = math.exp %sub3A_1446 : vector<2x343xf32>
    %reduce_sum3A_1448 = arith.constant dense<0.000000e+00> : vector<2xf32>
    %reduce_sum3A_1449 = vector.multi_reduction <add>, %exp3A_1447, %reduce_sum3A_1448 [1] : vector<2x343xf32> to vector<2xf32>
    %broadcast_in_dim3A_1450 = vector.shape_cast %reduce_sum3A_1449 : vector<2xf32> to vector<2x1xf32>
    %div3A_1451 = vector.broadcast %broadcast_in_dim3A_1450 : vector<2x1xf32> to vector<2x343xf32>
    %div3A_1452 = arith.divf %exp3A_1447, %div3A_1451 : vector<2x343xf32>
    %gt3A_1453 = arith.constant 7 : i32
    %gt3A_1454 = arith.cmpi sgt, %get3A_0, %gt3A_1453 : i32
    %broadcast_in_dim3A_1455 = arith.constant 0.000000e+00 : f32
    %broadcast_in_dim3A_1456 = vector.broadcast %broadcast_in_dim3A_1455 : f32 to vector<2x343xf32>
    %select_n3A_1457 = arith.select %gt3A_1454, %div3A_1452, %broadcast_in_dim3A_1456 : vector<2x343xf32>
    %swap3A_1458 = arith.constant 14 : index
    %swap3A_1459 = arith.constant 0 : index
    %swap3A_1460 = vector.load %arg2[%swap3A_1458, %swap3A_1459] : memref<16x343xf32, #tpu.memory_space<vmem>>, vector<2x343xf32>
    tpu.vector_store %arg2[%swap3A_1458, %swap3A_1459], %select_n3A_1457 {strides = array<i32>} : memref<16x343xf32, #tpu.memory_space<vmem>>, vector<2x343xf32>,
    %reduce_max3A_1461 = arith.constant dense<0xFF800000> : vector<2xf32>
    %reduce_max3A_1462 = vector.multi_reduction <maximumf>, %select_n3A_1457, %reduce_max3A_1461 [1] : vector<2x343xf32> to vector<2xf32>
    %broadcast_in_dim3A_1463 = vector.shape_cast %reduce_max3A_1462 : vector<2xf32> to vector<2x1xf32>
    %eq3A_1464 = vector.broadcast %broadcast_in_dim3A_1463 : vector<2x1xf32> to vector<2x343xf32>
    %eq3A_1465 = arith.cmpf oeq, %select_n3A_1457, %eq3A_1464 : vector<2x343xf32>
    %jit3A_1466 = arith.constant 343 : i32
    %broadcast_in_dim3A_1467 = vector.broadcast %jit3A_1466 : i32 to vector<2x343xi32>
    %select_n3A_1468 = arith.select %eq3A_1465, %iota3A, %broadcast_in_dim3A_1467 : vector<2x343xi1>, vector<2x343xi32>
    %reduce_min3A_1469 = arith.constant dense<2147483647> : vector<2xi32>
    %reduce_min3A_1470 = vector.multi_reduction <minsi>, %select_n3A_1468, %reduce_min3A_1469 [1] : vector<2x343xi32> to vector<2xi32>
    %broadcast_in_dim3A_1471 = vector.shape_cast %reduce_min3A_1470 : vector<2xi32> to vector<2x1xi32>
    %eq3A_1472 = vector.broadcast %broadcast_in_dim3A_1471 : vector<2x1xi32> to vector<2x343xi32>
    %eq3A_1473 = arith.cmpi eq, %iota3A, %eq3A_1472 : vector<2x343xi32>
    %jit3A_1474 = arith.constant 1.000000e+00 : f32
    %jit3A_1475 = arith.constant 0.000000e+00 : f32
    %broadcast_in_dim3A_1476 = vector.broadcast %jit3A_1474 : f32 to vector<2x343xf32>
    %broadcast_in_dim3A_1477 = vector.broadcast %jit3A_1475 : f32 to vector<2x343xf32>
    %select_n3A_1478 = arith.select %eq3A_1473, %broadcast_in_dim3A_1476, %broadcast_in_dim3A_1477 : vector<2x343xi1>, vector<2x343xf32>
    %sub3A_1479 = arith.subf %select_n3A_1478, %select_n3A_1457 : vector<2x343xf32>
    %add3A_1480 = arith.addf %sub3A_1479, %select_n3A_1457 : vector<2x343xf32>
    %swap3A_1481 = arith.constant 14 : index
    %swap3A_1482 = arith.constant 0 : index
    %swap3A_1483 = vector.load %arg3[%swap3A_1481, %swap3A_1482] : memref<16x343xf32, #tpu.memory_space<vmem>>, vector<2x343xf32>
    tpu.vector_store %arg3[%swap3A_1481, %swap3A_1482], %add3A_1480 {strides = array<i32>} : memref<16x343xf32, #tpu.memory_space<vmem>>, vector<2x343xf32>,
    %jit3A_1484 = arith.constant 49 : i32
    %div3A_1485 = vector.broadcast %jit3A_1484 : i32 to vector<2x1xi32>
    %div3A_1486 = arith.divsi %broadcast_in_dim3A_1471, %div3A_1485 : vector<2x1xi32>
    %sign3A_1487 = arith.constant 0 : i32
    %sign3A_1488 = vector.broadcast %sign3A_1487 : i32 to vector<2x1xi32>
    %sign3A_1489 = arith.cmpi sgt, %broadcast_in_dim3A_1471, %sign3A_1488 : vector<2x1xi32>
    %sign3A_1490 = arith.extui %sign3A_1489 : vector<2x1xi1> to vector<2x1xi32>
    %sign3A_1491 = arith.constant 0 : i32
    %sign3A_1492 = vector.broadcast %sign3A_1491 : i32 to vector<2x1xi32>
    %sign3A_1493 = arith.cmpi slt, %broadcast_in_dim3A_1471, %sign3A_1492 : vector<2x1xi32>
    %sign3A_1494 = arith.extui %sign3A_1493 : vector<2x1xi1> to vector<2x1xi32>
    %sign3A_1495 = arith.subi %sign3A_1490, %sign3A_1494 : vector<2x1xi32>
    %sign3A_1496 = arith.constant 0 : i32
    %sign3A_1497 = arith.cmpi sgt, %jit3A_1484, %sign3A_1496 : i32
    %sign3A_1498 = arith.extui %sign3A_1497 : i1 to i32
    %sign3A_1499 = arith.constant 0 : i32
    %sign3A_1500 = arith.cmpi slt, %jit3A_1484, %sign3A_1499 : i32
    %sign3A_1501 = arith.extui %sign3A_1500 : i1 to i32
    %sign3A_1502 = arith.subi %sign3A_1498, %sign3A_1501 : i32
    %ne3A_1503 = vector.broadcast %sign3A_1502 : i32 to vector<2x1xi32>
    %ne3A_1504 = arith.cmpi ne, %sign3A_1495, %ne3A_1503 : vector<2x1xi32>
    %rem3A_1505 = vector.broadcast %jit3A_1484 : i32 to vector<2x1xi32>
    %rem3A_1506 = arith.remsi %broadcast_in_dim3A_1471, %rem3A_1505 : vector<2x1xi32>
    %ne3A_1507 = arith.constant 0 : i32
    %ne3A_1508 = vector.broadcast %ne3A_1507 : i32 to vector<2x1xi32>
    %ne3A_1509 = arith.cmpi ne, %rem3A_1506, %ne3A_1508 : vector<2x1xi32>
    %and3A_1510 = arith.andi %ne3A_1504, %ne3A_1509 : vector<2x1xi1>
    %sub3A_1511 = arith.constant 1 : i32
    %sub3A_1512 = vector.broadcast %sub3A_1511 : i32 to vector<2x1xi32>
    %sub3A_1513 = arith.subi %div3A_1486, %sub3A_1512 : vector<2x1xi32>
    %select_n3A_1514 = arith.select %and3A_1510, %sub3A_1513, %div3A_1486 : vector<2x1xi1>, vector<2x1xi32>
    %jit3A_1515 = arith.constant 7 : i32
    %div3A_1516 = vector.broadcast %jit3A_1515 : i32 to vector<2x1xi32>
    %div3A_1517 = arith.divsi %broadcast_in_dim3A_1471, %div3A_1516 : vector<2x1xi32>
    %sign3A_1518 = arith.constant 0 : i32
    %sign3A_1519 = vector.broadcast %sign3A_1518 : i32 to vector<2x1xi32>
    %sign3A_1520 = arith.cmpi sgt, %broadcast_in_dim3A_1471, %sign3A_1519 : vector<2x1xi32>
    %sign3A_1521 = arith.extui %sign3A_1520 : vector<2x1xi1> to vector<2x1xi32>
    %sign3A_1522 = arith.constant 0 : i32
    %sign3A_1523 = vector.broadcast %sign3A_1522 : i32 to vector<2x1xi32>
    %sign3A_1524 = arith.cmpi slt, %broadcast_in_dim3A_1471, %sign3A_1523 : vector<2x1xi32>
    %sign3A_1525 = arith.extui %sign3A_1524 : vector<2x1xi1> to vector<2x1xi32>
    %sign3A_1526 = arith.subi %sign3A_1521, %sign3A_1525 : vector<2x1xi32>
    %sign3A_1527 = arith.constant 0 : i32
    %sign3A_1528 = arith.cmpi sgt, %jit3A_1515, %sign3A_1527 : i32
    %sign3A_1529 = arith.extui %sign3A_1528 : i1 to i32
    %sign3A_1530 = arith.constant 0 : i32
    %sign3A_1531 = arith.cmpi slt, %jit3A_1515, %sign3A_1530 : i32
    %sign3A_1532 = arith.extui %sign3A_1531 : i1 to i32
    %sign3A_1533 = arith.subi %sign3A_1529, %sign3A_1532 : i32
    %ne3A_1534 = vector.broadcast %sign3A_1533 : i32 to vector<2x1xi32>
    %ne3A_1535 = arith.cmpi ne, %sign3A_1526, %ne3A_1534 : vector<2x1xi32>
    %rem3A_1536 = vector.broadcast %jit3A_1515 : i32 to vector<2x1xi32>
    %rem3A_1537 = arith.remsi %broadcast_in_dim3A_1471, %rem3A_1536 : vector<2x1xi32>
    %ne3A_1538 = arith.constant 0 : i32
    %ne3A_1539 = vector.broadcast %ne3A_1538 : i32 to vector<2x1xi32>
    %ne3A_1540 = arith.cmpi ne, %rem3A_1537, %ne3A_1539 : vector<2x1xi32>
    %and3A_1541 = arith.andi %ne3A_1535, %ne3A_1540 : vector<2x1xi1>
    %sub3A_1542 = arith.constant 1 : i32
    %sub3A_1543 = vector.broadcast %sub3A_1542 : i32 to vector<2x1xi32>
    %sub3A_1544 = arith.subi %div3A_1517, %sub3A_1543 : vector<2x1xi32>
    %select_n3A_1545 = arith.select %and3A_1541, %sub3A_1544, %div3A_1517 : vector<2x1xi1>, vector<2x1xi32>
    %jit3A_1546 = arith.constant 7 : i32
    %eq3A_1547 = arith.constant 0 : i32
    %eq3A_1548 = arith.cmpi eq, %jit3A_1546, %eq3A_1547 : i32
    %jit3A_1549 = arith.constant 1 : i32
    %select_n3A_1550 = arith.select %eq3A_1548, %jit3A_1549, %jit3A_1546 : i32
    %rem3A_1551 = vector.broadcast %select_n3A_1550 : i32 to vector<2x1xi32>
    %rem3A_1552 = arith.remsi %select_n3A_1545, %rem3A_1551 : vector<2x1xi32>
    %ne3A_1553 = arith.constant 0 : i32
    %ne3A_1554 = vector.broadcast %ne3A_1553 : i32 to vector<2x1xi32>
    %ne3A_1555 = arith.cmpi ne, %rem3A_1552, %ne3A_1554 : vector<2x1xi32>
    %lt3A_1556 = arith.constant 0 : i32
    %lt3A_1557 = vector.broadcast %lt3A_1556 : i32 to vector<2x1xi32>
    %lt3A_1558 = arith.cmpi slt, %rem3A_1552, %lt3A_1557 : vector<2x1xi32>
    %lt3A_1559 = arith.constant 0 : i32
    %lt3A_1560 = arith.cmpi slt, %select_n3A_1550, %lt3A_1559 : i32
    %ne3A_1561 = vector.broadcast %lt3A_1560 : i1 to vector<2x1xi1>
    %ne3A_1562 = vector.broadcast %ne3A_1561 : vector<2x1xi1> to vector<2x1xi1>
    %ne3A_1563 = arith.xori %lt3A_1558, %ne3A_1562 : vector<2x1xi1>
    %and3A_1564 = arith.andi %ne3A_1563, %ne3A_1555 : vector<2x1xi1>
    %add3A_1565 = vector.broadcast %select_n3A_1550 : i32 to vector<2x1xi32>
    %add3A_1566 = arith.addi %rem3A_1552, %add3A_1565 : vector<2x1xi32>
    %select_n3A_1567 = arith.select %and3A_1564, %add3A_1566, %rem3A_1552 : vector<2x1xi1>, vector<2x1xi32>
    %jit3A_1568 = arith.constant 7 : i32
    %eq3A_1569 = arith.constant 0 : i32
    %eq3A_1570 = arith.cmpi eq, %jit3A_1568, %eq3A_1569 : i32
    %jit3A_1571 = arith.constant 1 : i32
    %select_n3A_1572 = arith.select %eq3A_1570, %jit3A_1571, %jit3A_1568 : i32
    %rem3A_1573 = vector.broadcast %select_n3A_1572 : i32 to vector<2x1xi32>
    %rem3A_1574 = arith.remsi %broadcast_in_dim3A_1471, %rem3A_1573 : vector<2x1xi32>
    %ne3A_1575 = arith.constant 0 : i32
    %ne3A_1576 = vector.broadcast %ne3A_1575 : i32 to vector<2x1xi32>
    %ne3A_1577 = arith.cmpi ne, %rem3A_1574, %ne3A_1576 : vector<2x1xi32>
    %lt3A_1578 = arith.constant 0 : i32
    %lt3A_1579 = vector.broadcast %lt3A_1578 : i32 to vector<2x1xi32>
    %lt3A_1580 = arith.cmpi slt, %rem3A_1574, %lt3A_1579 : vector<2x1xi32>
    %lt3A_1581 = arith.constant 0 : i32
    %lt3A_1582 = arith.cmpi slt, %select_n3A_1572, %lt3A_1581 : i32
    %ne3A_1583 = vector.broadcast %lt3A_1582 : i1 to vector<2x1xi1>
    %ne3A_1584 = vector.broadcast %ne3A_1583 : vector<2x1xi1> to vector<2x1xi1>
    %ne3A_1585 = arith.xori %lt3A_1580, %ne3A_1584 : vector<2x1xi1>
    %and3A_1586 = arith.andi %ne3A_1585, %ne3A_1577 : vector<2x1xi1>
    %add3A_1587 = vector.broadcast %select_n3A_1572 : i32 to vector<2x1xi32>
    %add3A_1588 = arith.addi %rem3A_1574, %add3A_1587 : vector<2x1xi32>
    %select_n3A_1589 = arith.select %and3A_1586, %add3A_1588, %rem3A_1574 : vector<2x1xi1>, vector<2x1xi32>
    %iota3A_1590 = tpu.iota {dimensions = array<i32: 0>} : vector<2x1xi32>
    %mul3A_1591 = arith.constant 131072 : i32
    %mul3A_1592 = vector.broadcast %mul3A_1591 : i32 to vector<2x1xi32>
    %mul3A_1593 = arith.muli %iota3A_1590, %mul3A_1592 : vector<2x1xi32>
    %mul3A_1594 = arith.constant 16384 : i32
    %mul3A_1595 = vector.broadcast %mul3A_1594 : i32 to vector<2x1xi32>
    %mul3A_1596 = arith.muli %select_n3A_1514, %mul3A_1595 : vector<2x1xi32>
    %add3A_1597 = arith.addi %mul3A_1593, %mul3A_1596 : vector<2x1xi32>
    %mul3A_1598 = arith.constant 128 : i32
    %mul3A_1599 = vector.broadcast %mul3A_1598 : i32 to vector<2x1xi32>
    %mul3A_1600 = arith.muli %select_n3A_1567, %mul3A_1599 : vector<2x1xi32>
    %add3A_1601 = arith.addi %add3A_1597, %mul3A_1600 : vector<2x1xi32>
    %add3A_1602 = arith.addi %add3A_1601, %select_n3A_1589 : vector<2x1xi32>
    %add3A_1603 = vector.broadcast %add3A_1602 : vector<2x1xi32> to vector<2x2048xi32>
    %add3A_1604 = arith.addi %add3A_1603, %add3A_106 : vector<2x2048xi32>
    %swap3A_1605 = arith.constant 14 : index
    %swap3A_1606 = arith.constant 0 : index
    %swap3A_1607 = vector.load %arg4[%swap3A_1605, %swap3A_1606] : memref<16x2048xi32, #tpu.memory_space<vmem>>, vector<2x2048xi32>
    tpu.vector_store %arg4[%swap3A_1605, %swap3A_1606], %add3A_1604 {strides = array<i32>} : memref<16x2048xi32, #tpu.memory_space<vmem>>, vector<2x2048xi32>,
    return
  }
}

</mosaic_0001>

<sc_bundles>
// kernel: kernel.4.cloned.1.call-start
scs
__scs_entry_jumppad:
0x0: {  	(pc) =	sbr.rel $0x88, $3  }
0x1: {  	(tag) =	ssettag $0x0;
	lr =	simm.s32 $0x1  }
0x2: {  	[smem:$0x3F9E] =	sst lr;
	_ =	strace $0xD0000000  }
0x3: {  	_ = 	snop  }
0x4: {  	_ = 	snop  }
0x5: {  	_ = 	snop  }
0x6: {  	_ = 	snop  }
0x7: {  	_ = 	snop  }
__scs_overlays_trampoline_lowered:
0x8: {  	[smem:$0x3FAD] =	sst s0  }
0x9: {  	[smem:$0x3FAE] =	sst s1  }
0xa: {  	[smem:$0x3FAF] =	sst s2  }
0xb: {  	[smem:$0x3FB0] =	sst s3  }
0xc: {  	[smem:$0x3FB1] =	sst s4  }
0xd: {  	[smem:$0x3FB2] =	sst s5  }
0xe: {  	[smem:$0x3FB3] =	sst s6  }
0xf: {  	[smem:$0x3FB4] =	sst s7  }
0x10: {  	[smem:$0x3FB5] =	sst s8  }
0x11: {  	[smem:$0x3FB6] =	sst s9;
	s0 =	simm.s32 @!p0 $0x0  }
0x12: {  	s1 =	sld [smem:$0x3F9C];
	s0 =	simm.s32 @p0 $0x1  }
0x13: {  	[smem:$0x3FB7] =	sst s0;
	s0 =	simm.s32 @!p1 $0x0  }
0x14: {  	s2 =	sld [smem:$0x3F9B];
	s0 =	simm.s32 @p1 $0x1  }
0x15: {  	[smem:$0x3FB8] =	sst s0;
	s0 =	simm.s32 @!p2 $0x0  }
0x16: {  	s3 =	sld [smem:$0x3FDB];
	s0 =	simm.s32 @p2 $0x1  }
0x17: {  	s4 =	simm.s32 $0x1BF5;
	[smem:$0x3FBA] =	sst s0  }
0x18: {  	s0 =	sld [smem:$0x3F9D];
	_ =	swait.ge [sflag:s4], $0x0  }
0x19: {  	s7 =	sld [smem:$0x3F9E]  }
0x1a: {  	s8 =	sadd.s32 $0xFFFFE003, lr  }
0x1b: {  	s9 =	sadd.s32 $0xFFFFFEF7, lr;
	s5 =	simm.s32 $0xFFFFFFFF;
	p2 =	slt.u32 s8, $0xFFFFF086  }
0x1c: {  	p1 =	slt.u32 s9, $0xF7A;
	s5 =	simm.s32 @!p2 $0x0  }
0x1d: {  	s5 =	simm.s32 @p1 $0x1;
	p0 =	seq.s32 s7, s2  }
0x1e: {  	s7 =	smul.u32 @!p0 $0xF7A, s2;
	p2 =	seq.s32 @!p0 s5, $0x0  }
0x1f: {  	s9 =	smul.u32 $0xF7A, s1;
	s8 =	simm.s32 @!p0 $0x1BF5;
	p2 =	por !p2, p0  }
0x20: {  	[sflag:s8] =	ssyncset.s32 @!p0 $0xFFFFF086;
	s6 =	sadd.s32 @!p0 s3, s7;
	s7 =	simm.s32 @!p0 $0x108  }
0x21: {  	s3 =	sadd.s32 s3, s9;
	s6 =	sadd.s32 @!p0 $0x88, s6;
	s7 =	simm.s32 @p2 $0x1082  }
0x22: {  	[simem:s7], [sflag:s8] =	dma.local @!p0 [hbm:s6], $0xF7A  }
0x23: {  	s9 =	sor.u32 $0xD0000000, s2;
	s6 =	simm.s32 $0x108;
	_ =	swait.ge @!p0 [sflag:s8], $0x0  }
0x24: {  	s3 =	sadd.s32 $0x88, s3;
	s6 =	simm.s32 @!p1 $0x1082;
	[sflag:s4] =	ssyncset.s32 $0xFFFFF086  }
0x25: {  	[simem:s6], [sflag:s4] =	dma.local [hbm:s3], $0xF7A  }
0x26: {  	[smem:$0x3F9E] =	sst s1;
	(tag) =	ssettag s2;
	_ =	strace s9  }
0x27: {  	s1 =	sld [smem:$0x3FAE]  }
0x28: {  	s2 =	sld [smem:$0x3FAF]  }
0x29: {  	s4 =	sld [smem:$0x3FB1]  }
0x2a: {  	p0 =	seq.s32 s5, $0x0;
	s5 =	sld [smem:$0x3FB2]  }
0x2b: {  	s6 =	sld [smem:$0x3FB3]  }
0x2c: {  	s7 =	sld [smem:$0x3FB4]  }
0x2d: {  	s3 =	simm.s32 $0x108;
	s8 =	sld [smem:$0x3FB5]  }
0x2e: {  	s3 =	simm.s32 @!p0 $0x1082;
	s9 =	sld [smem:$0x3FB6]  }
0x2f: {  	lr =	sadd.s32 s0, s3;
	s0 =	sld [smem:$0x3FAD]  }
0x30: {  	s3 =	sld [smem:$0x3FB0]  }
0x31: {  	[smem:$0x3FB9] =	sst s10  }
0x32: {  	s10 =	sld [smem:$0x3FB7];
	_ =	sdelay $0x3  }
0x33: {  	p0 =	seq.s32 s10, $0x1;
	s10 =	sld [smem:$0x3FB9];
	_ =	sdelay $0x3  }
0x34: {  	[smem:$0x3FB9] =	sst s10  }
0x35: {  	s10 =	sld [smem:$0x3FB8];
	_ =	sdelay $0x3  }
0x36: {  	p1 =	seq.s32 s10, $0x1;
	s10 =	sld [smem:$0x3FB9];
	_ =	sdelay $0x3  }
0x37: {  	[smem:$0x3FB9] =	sst s10  }
0x38: {  	s10 =	sld [smem:$0x3FBA]  }
0x39: {  	_ = 	snop;
	(pc) =	sbr.ind lr, $3  }
0x3a: {  	_ = 	snop  }
0x3b: {  	_ = 	snop  }
0x3c: {  	p2 =	seq.s32 s10, $0x1;
	s10 =	sld [smem:$0x3FB9]  }
0x3d: {  	_ =	shalt  }
0x3e: {  	_ =	shalt  }
0x3f: {  	_ =	shalt  }
0x40: {  	_ =	shalt  }
0x41: {  	_ =	shalt  }
0x42: {  	_ =	shalt  }
0x43: {  	_ =	shalt  }
0x44: {  	_ =	shalt  }
0x45: {  	_ =	shalt  }
0x46: {  	_ =	shalt  }
0x47: {  	_ =	shalt  }
0x48: {  	_ =	shalt  }
0x49: {  	_ =	shalt  }
0x4a: {  	_ =	shalt  }
0x4b: {  	_ =	shalt  }
0x4c: {  	_ =	shalt  }
0x4d: {  	_ =	shalt  }
0x4e: {  	_ =	shalt  }
0x4f: {  	_ =	shalt  }
0x50: {  	_ =	shalt  }
0x51: {  	_ =	shalt  }
0x52: {  	_ =	shalt  }
0x53: {  	_ =	shalt  }
0x54: {  	_ =	shalt  }
0x55: {  	_ =	shalt  }
0x56: {  	_ =	shalt  }
0x57: {  	_ =	shalt  }
0x58: {  	_ =	shalt  }
0x59: {  	_ =	shalt  }
0x5a: {  	_ =	shalt  }
0x5b: {  	_ =	shalt  }
0x5c: {  	_ =	shalt  }
0x5d: {  	_ =	shalt  }
0x5e: {  	_ =	shalt  }
0x5f: {  	_ =	shalt  }
0x60: {  	_ =	shalt  }
0x61: {  	_ =	shalt  }
0x62: {  	_ =	shalt  }
0x63: {  	_ =	shalt  }
0x64: {  	_ =	shalt  }
0x65: {  	_ =	shalt  }
0x66: {  	_ =	shalt  }
0x67: {  	_ =	shalt  }
0x68: {  	_ =	shalt  }
0x69: {  	_ =	shalt  }
0x6a: {  	_ =	shalt  }
0x6b: {  	_ =	shalt  }
0x6c: {  	_ =	shalt  }
0x6d: {  	_ =	shalt  }
0x6e: {  	_ =	shalt  }
0x6f: {  	_ =	shalt  }
0x70: {  	_ =	shalt  }
0x71: {  	_ =	shalt  }
0x72: {  	_ =	shalt  }
0x73: {  	_ =	shalt  }
0x74: {  	_ =	shalt  }
0x75: {  	_ =	shalt  }
0x76: {  	_ =	shalt  }
0x77: {  	_ =	shalt  }
0x78: {  	_ =	shalt  }
0x79: {  	_ =	shalt  }
0x7a: {  	_ =	shalt  }
0x7b: {  	_ =	shalt  }
0x7c: {  	_ =	shalt  }
0x7d: {  	_ =	shalt  }
0x7e: {  	_ =	shalt  }
0x7f: {  	_ =	shalt  }
0x80: {  	_ =	shalt  }
0x81: {  	_ =	shalt  }
0x82: {  	_ =	shalt  }
0x83: {  	_ =	shalt  }
0x84: {  	_ =	shalt  }
0x85: {  	_ =	shalt  }
0x86: {  	_ =	shalt  }
0x87: {  	_ =	shalt  }
.Lfunc_end0:
.L_simem_size_0:
called_computation_lowered:
.L_overlay_start_0:
0x88: {  	s2 =	sld [smem:$0x3FD9]  }
0x89: {  	s3 =	sld [smem:$0x3FFE];
	_ =	sdelay $0x1  }
0x8a: {  	s1 =	srdreg.scid  }
0x8b: {  	s0 =	sand.u32 $0x1, s1  }
0x8c: {  	s14 =	sshll.u32 s0, $0xA;
	s2 =	sadd.s32 s3, s2  }
0x8d: {  	s2 =	sadd.s32 s2, s14  }
0x8e: {  	[smem:$0x3FC5] =	sst s2  }
0x8f: {  	_ = 	snop  }
0x90: {  	s2 =	sld [smem:$0x3FD0];
	_ =	sdelay $0x2  }
0x91: {  	s4 =	simm.s32 $0xA;
	s5 =	simm.s32 $0x10;
	s15 =	sld [smem:$0x3FC9]  }
0x92: {  	[smem:s5], [sflag:s4] =	dma.local [hbm:s2], $0x1  }
0x93: {  	_ =	swait.eq [sflag:s4], $0x1  }
0x94: {  	[sflag:s4] =	ssyncset.done $0x0  }
0x95: {  	[sflag:s4] =	ssyncadd.s32 $0xFFFFFFFF  }
0x96: {  	s16 =	sld [smem:$0x10];
	(tm) =	ssettm $0x1  }
0x97: {  	s17 =	sld [smem:$0x3FFB];
	_ =	sdelay $0x3  }
0x98: {  	_ =	strace s17  }
0x99: {  	s4 =	sld [smem:$0x3FFC];
	_ =	sdelay $0x3  }
0x9a: {  	_ =	strace s4  }
0x9b: {  	s4 =	sld [smem:$0x3FFD];
	_ =	sdelay $0x3  }
0x9c: {  	_ =	strace s4  }
0x9d: {  	_ =	strace $0x8FFFFFFF  }
0x9e: {  	s18 =	sld [smem:$0x3FDB];
	_ =	sdelay $0x1  }
0x9f: {  	s19 =	simm.s32 $_scs_section_size  }
0xa0: {  	s6 =	simm.s32 $_size__tile_overlayer_lowered;
	s7 =	simm.s32 $_tile_overlayer_lowered  }
0xa1: {  	s22 =	simm.s32 $0x1BFF;
	s21 =	sshll.u32 s7, $0x1;
	s4 =	sadd.s32 s19, s18  }
0xa2: {  	s8 =	simm.s32 $0x0;
	s20 =	sshll.u32 s6, $0x1;
	s6 =	sadd.s32 s21, s4  }
0xa3: {  	[timem:s8], [sflag:s22] =	dma.local [hbm:s6], s20  }
0xa4: {  	_ =	swait.ge [sflag:s22], s20  }
0xa5: {  	s5 =	ssub.s32 $0x0, s20;
	[sflag:s22] =	ssyncset.done $0x0  }
0xa6: {  	[sflag:s22] =	ssyncadd.s32 s5;
	_ =	sdelay $0x1  }
0xa7: {  	s23 =	simm.s32 $0x1B8B  }
0xa8: {  	_ =	swait.ge [sflag:s23], $0x1  }
0xa9: {  	[sflag:s23] =	ssyncset.done $0x0  }
0xaa: {  	s25 =	simm.s32 $0x1B8E;
	s24 =	sld [smem:$0x3FFE];
	[sflag:s23] =	ssyncadd.s32 $0xFFFFFFFF  }
0xab: {  	s26 =	simm.s32 $execute0_lowered;
	[smem:$0x3FD2] =	sst s25  }
0xac: {  	s6 =	sshll.u32 s26, $0x1;
	_ =	strace $0x80000046;
	[dreg:$0x1] =	wrdreg $0xFFFFFFFF  }
0xad: {  	s28 =	simm.s32 $_size_execute0_lowered;
	s4 =	sadd.s32 s4, s6;
	[dreg:$0x0] =	wrdreg $0x0  }
0xae: {  	s6 =	sshll.u32 s28, $0x1;
	[dreg:$0x2] =	wrdreg s4  }
0xaf: {  	[dreg:$0x3] =	wrdreg s6  }
0xb0: {  	[dreg:$0x4] =	wrdreg $0xC0  }
0xb1: {  	_ =	task [dreg:s8], $0x5FFFF  }
0xb2: {  	[dreg:$0x1] =	wrdreg $0xFFFFFFFF  }
0xb3: {  	[dreg:$0x0] =	wrdreg $0x60  }
0xb4: {  	[dreg:$0x2] =	wrdreg s15  }
0xb5: {  	[dreg:$0x3] =	wrdreg s16  }
0xb6: {  	[dreg:$0x4] =	wrdreg s24  }
0xb7: {  	[dreg:$0x5] =	wrdreg $0x9  }
0xb8: {  	_ =	task.clear_ibuf [dreg:s8], $0x6FFFF;
	_ =	strace $0x90000046  }
0xb9: {  	s29 =	simm.s32 $0x9;
	_ =	strace $0x80000048  }
0xba: {  	_ =	swait.ge [sflag:s29], $0x1  }
0xbb: {  	[sflag:s29] =	ssyncadd.s32 $0xFFFFFFFF  }
0xbc: {  	_ =	strace $0x90000048  }
0xbd: {  	_ =	sfence  }
0xbe: {  	s30 =	sld [smem:$0x0];
	_ =	sdelay $0x2  }
0xbf: {  	s31 =	sshll.u32 s1, $0xD;
	s1 =	sshrl.u32 s1, $0x2  }
0xc0: {  	s3 =	sand.u32 $0x4000, s31;
	s1 =	sadd.s32 s1, s30  }
0xc1: {  	s0 =	sor.u32 s3, s0;
	s1 =	sshll.u32 s1, $0x11  }
0xc2: {  	s0 =	sor.u32 s1, s0  }
0xc3: {  	s0 =	sadd.s32 $0x8F2B, s0  }
0xc4: {  	[sflag:s0] =	ssyncadd.remote.s32 $0x1  }
0xc5: {  	_ =	sfence.sel $0xFFFF  }
0xc6: {  	[dreg:$0x0] =	wrdreg $0xFFFFFFFF;
	(pc) =	sbr.abs _section_cstart, $3  }
0xc7: {  	[dreg:$0x1] =	wrdreg $0xFFFFFFFF  }
0xc8: {  	_ =	task.clear_ibuf [dreg:s8], $0x2FFFF;
	_ =	strace $0x9FFFFFFF  }
0xc9: {  	(tm) =	ssettm $0x7FFFFFFF  }
tec
execute0_lowered:
.L_overlay_start_1:
0x0: {  	(tag) =	ssettag $0x1  }
0x1: {  	s1 =	rddreg [dreg:$0x0];
	s2 =	srdreg.scid  }
0x2: {  	s4 =	rddreg [dreg:$0x1];
	s0 =	stileid.u32  }
0x3: {  	s8 =	rddreg [dreg:$0x2];
	s3 =	simm.s32 $0x0;
	s6 =	sand.u32 $0x1, s2  }
0x4: {  	s5 =	sshll.u32 s0, $0xB;
	s2 =	rddreg [dreg:$0x3];
	s7 =	sshll.u32 s6, $0xA  }
0x5: {  	[smem:$0x7FF] =	sst s3;
	s9 =	sor.u32 s7, s5  }
0x6: {  	_ =	strace $0x80000047;
	s10 =	ssub.s32 $0x2, s6;
	s5 =	sshrl.u32 s9, $0x3  }
0x7: {  	s6 =	simm.s32 $0x400;
	s5 =	sadd.s32 s4, s5;
	s4 =	simm.s32 $0x2  }
0x8: {  	[tilespmem:s3], [sflag:$0x2] =	stream.linear.gather [hbm4b:s5+s3], $0x400, $0x38;
	[tilespmem:$0x4400] =	vst v63  }
0x9: {  	s7 =	simm.s32 $0x1;
	s11 =	sshrl.u32 s10, $0x1;
	_ =	swait.ge [sflag:s4], $0x400  }
0xa: {  	s9 =	sshll.u32 s9, $0x1;
	s31 =	ssub.s32 s10, s11;
	[sflag:s4] =	ssyncset.done $0x0  }
0xb: {  	s8 =	sadd.s32 s9, s8;
	s9 =	smax.u32 s31, $0x1;
	[sflag:s4] =	ssyncadd.s32 $0xFFFFFC00  }
0xc: {  	[tilespmem:s6], [sflag:$0x1] =	stream.indirect.gather [hbm4b:s1+s6], $0x10, s3, s6, $0xb8;
	[tilespmem:$0x4400] =	vst v63  }
0xd: {  	p0 =	sne.s32 s9, $0x1;
	_ =	swait.ge [sflag:s7], $0x4000  }
.Ltmp0:
0xe: {  	[sflag:s7] =	ssyncset.done $0x0;
	(pc) =	sbr.rel @!p0 .LBB2_2-.Ltmp0, $4  }
0xf: {  	s8 =	sadd.s32 $0x200, s8;
	[sflag:s7] =	ssyncadd.s32 $0xFFFFC000  }
0x10: {  	[hbm4b:s8+s3] =	stream.linear.scatter [tilespmem:s6], [sflag:$0x2], $0x4000, $0x38;
	[tilespmem:$0x4400] =	vst v63  }
0x11: {  	_ =	swait.ge [sflag:s4], $0x4000  }
0x12: {  	s9 =	sadd.s32 $0xFFFFFFFF, s9;
	[sflag:s4] =	ssyncset.done $0x0  }
.LBB2_1:
0x13: {  	p0 =	sne.s32 s9, $0x1;
	s9 =	sadd.s32 $0xFFFFFFFF, s9;
	[sflag:s4] =	ssyncadd.s32 $0xFFFFC000  }
0x14: {  	[tilespmem:s3], [sflag:$0x2] =	stream.linear.gather [hbm4b:s5+s3], $0x400, $0x38;
	[tilespmem:$0x4400] =	vst v63  }
0x15: {  	_ =	swait.ge [sflag:s4], $0x400  }
0x16: {  	[sflag:s4] =	ssyncset.done $0x0  }
0x17: {  	[sflag:s4] =	ssyncadd.s32 $0xFFFFFC00  }
0x18: {  	[tilespmem:s6], [sflag:$0x1] =	stream.indirect.gather [hbm4b:s1+s6], $0x10, s3, s6, $0xb8;
	[tilespmem:$0x4400] =	vst v63  }
0x19: {  	_ =	swait.ge [sflag:s7], $0x4000  }
.Ltmp1:
0x1a: {  	[sflag:s7] =	ssyncset.done $0x0;
	(pc) =	sbr.rel @p0 .LBB2_1-.Ltmp1, $4  }
0x1b: {  	[sflag:s7] =	ssyncadd.s32 $0xFFFFC000  }
0x1c: {  	[hbm4b:s8+s3] =	stream.linear.scatter [tilespmem:s6], [sflag:$0x2], $0x4000, $0x38;
	[tilespmem:$0x4400] =	vst v63  }
0x1d: {  	_ =	swait.ge [sflag:s4], $0x4000  }
0x1e: {  	[sflag:s4] =	ssyncset.done $0x0  }
.LBB2_2:
0x1f: {  	[sflag:s4] =	ssyncadd.s32 $0xFFFFC000  }
0x20: {  	_ =	sfence.sel $0x180000  }
0x21: {  	[bflag:$0x0] =	sbarrier.arrive $0xFFFF  }
0x22: {  	p0 =	sne.s32 s0, $0x0;
	_ =	strace $0x90000047  }
0x23: {  	s0 =	sadd.s32 @!p0 $0x100000, s2;
	[bflag:$0x2] =	sbarrier.arrive $0xFFFF  }
0x24: {  	[sflag:s0] =	ssyncadd.tile.s32 @!p0 $0x1;
	_ =	shalt  }
.Lfunc_end2:
_tile_overlayer_lowered:
.L_overlay_start_2:
0x25: {  	(tag) =	ssettag $0x2  }
0x26: {  	s0 =	rddreg [dreg:$0x0];
	s2 =	stileid.u32  }
0x27: {  	s1 =	rddreg [dreg:$0x1];
	p0 =	sne.s32 s2, $0x0  }
0x28: {  	s3 =	rddreg [dreg:$0x2];
	[bflag:$0x3] =	sbarrier.arrive $0xFFFF;
	s2 =	simm.s32 @!p0 $0x1C02  }
0x29: {  	[timem:s3], [sflag:s2] =	dma.local @!p0 [hbm:s0], s1  }
0x2a: {  	s0 =	simm.s32 @!p0 $0x2  }
0x2b: {  	_ =	swait.ge @!p0 [sflag:s0], s1  }
0x2c: {  	s1 =	ssub.s32 @!p0 $0x0, s1;
	[sflag:s0] =	ssyncset.done @!p0 $0x0  }
0x2d: {  	[sflag:s0] =	ssyncadd.s32 @!p0 s1  }
0x2e: {  	[bflag:$0x3] =	sbarrier.arrive $0xFFFF  }
0x2f: {  	_ =	shalt  }

</sc_bundles>
